<compile_context>
chip_gen: v7x
topology: tpu7x:2x2x1
jax: 0.10.2.dev20260603
libtpu: 0.0.44.dev20260713+nightly
codegen_flags: <defaults>
</compile_context>

<pallas_src>
import jax
import jax.numpy as jnp
from jax import lax
from jax.experimental import pallas as pl
from jax.experimental.pallas import tpu as pltpu
from jax.experimental.pallas import tpu_sc as plsc

P = 32
M = 512
N = 512
IMG = M * N
NP = 640
PROWS = 544
IMGP = PROWS * NP
ROWS_PER_CHUNK = 8
C = ROWS_PER_CHUNK * N
CU = 2 * C
NUM_CHUNKS = IMG // C
VECS = C // 16
BLKW = ROWS_PER_CHUNK * NP
NSLOT = 8
WINW = NSLOT * BLKW


def _warp_body(xp_hbm, dx_hbm, dy_hbm, out_hbm,
               win, dxv0, dyv0, dxv1, dyv1, outv0, outv1,
               f00, f01, f10, f11,
               g00b, g01b, g10b, g11b,
               sem_u0, sem_u1, sem_o0, sem_o1, sem_pref, sem_g):
    cid = lax.axis_index("c")
    sid = lax.axis_index("s")
    wid = sid * 2 + cid

    pbase = (wid // 8) * IMGP
    ubase = wid * IMG
    obase = wid * IMG

    lanef = lax.broadcasted_iota(jnp.int32, (16,), 0).astype(jnp.float32)
    zerov = jnp.zeros((16,), jnp.float32)

    def coords(t, k, dxv, dyv):
        off = t * 16
        dxl = dxv[pl.ds(off, 16)]
        dyl = dyv[pl.ds(off, 16)]
        jxf = ((t & 31) * 16 + 1).astype(jnp.float32)
        iyf = (k * 8 + (t >> 5) + 1).astype(jnp.float32)
        xs = dxl + lanef + jxf
        ys = dyl + iyf
        xs = jnp.minimum(jnp.maximum(xs, 0.0), 513.0)
        ys = jnp.minimum(jnp.maximum(ys, 0.0), 513.0)
        x0 = xs.astype(jnp.int32)
        y0 = ys.astype(jnp.int32)
        wx = xs - x0.astype(jnp.float32)
        wy = ys - y0.astype(jnp.float32)
        return x0, y0, wx, wy

    def zero_body(t, carry):
        win[pl.ds(t * 16, 16)] = zerov
        return carry

    lax.fori_loop(0, WINW // 16 + 1, zero_body, None)
    pltpu.sync_copy(xp_hbm.at[pl.ds(pbase, 3 * BLKW)],
                    win.at[pl.ds(0, 3 * BLKW)])
    pltpu.async_copy(xp_hbm.at[pl.ds(pbase + 3 * BLKW, BLKW)],
                     win.at[pl.ds(3 * BLKW, BLKW)], sem_pref)
    pltpu.async_copy(dx_hbm.at[pl.ds(ubase, C)], dxv0, sem_u0)
    pltpu.async_copy(dy_hbm.at[pl.ds(ubase, C)], dyv0, sem_u0)

    def chunk_k(k, dxv, dyv, dxn, dyn, outv, sem_u, sem_un, sem_o):
        pltpu.make_async_copy(dx_hbm.at[pl.ds(ubase, C)], dxv, sem_u).wait()
        pltpu.make_async_copy(dy_hbm.at[pl.ds(ubase, C)], dyv, sem_u).wait()
        nk = jnp.minimum(k + 1, NUM_CHUNKS - 1)
        pltpu.async_copy(dx_hbm.at[pl.ds(ubase + nk * C, C)], dxn, sem_un)
        pltpu.async_copy(dy_hbm.at[pl.ds(ubase + nk * C, C)], dyn, sem_un)

        pltpu.make_async_copy(
            xp_hbm.at[pl.ds(pbase, BLKW)], win.at[pl.ds(0, BLKW)],
            sem_pref).wait()
        blk = k + 4
        slot = blk & (NSLOT - 1)
        pltpu.async_copy(
            xp_hbm.at[pl.ds(pbase + blk * BLKW, BLKW)],
            win.at[pl.ds(slot * BLKW, BLKW)], sem_pref)

        wlo = k * 8 - 24
        whi = k * 8 + 31

        @pl.when(k >= 2)
        def _():
            pltpu.make_async_copy(outv, out_hbm.at[pl.ds(obase, C)],
                                  sem_o).wait()

        def vec_body(t, missv):
            off = t * 16
            x0, y0, wx, wy = coords(t, k, dxv, dyv)
            y1 = y0 + 1
            x1 = x0 + 1

            miss = ~((y0 >= wlo) & (y0 < whi))

            lb0 = (y0 & (NSLOT * 8 - 1)) * NP
            lb1 = (y1 & (NSLOT * 8 - 1)) * NP
            v00 = plsc.load_gather(win, [lb0 + x0])
            v01 = plsc.load_gather(win, [lb0 + x1])
            v10 = plsc.load_gather(win, [lb1 + x0])
            v11 = plsc.load_gather(win, [lb1 + x1])

            ox = 1.0 - wx
            oy = 1.0 - wy
            acc = oy * (v00 * ox + v01 * wx) + wy * (v10 * ox + v11 * wx)
            outv[pl.ds(off, 16)] = acc
            return missv | miss.astype(jnp.int32)

        missv = plsc.parallel_loop(
            0, VECS, unroll=4,
            carry=jnp.zeros((16,), jnp.int32))(vec_body)
        nmiss = jnp.max(missv)

        @pl.when(nmiss > 0)
        def _fallback():
            def idx_body(t, carry):
                off = t * 16
                x0, y0, _wx, _wy = coords(t, k, dxv, dyv)
                yb0 = y0 * NP + pbase
                yb1 = yb0 + NP
                f00[pl.ds(off, 16)] = yb0 + x0
                f01[pl.ds(off, 16)] = yb0 + x0 + 1
                f10[pl.ds(off, 16)] = yb1 + x0
                f11[pl.ds(off, 16)] = yb1 + x0 + 1
                return carry

            lax.fori_loop(0, VECS, idx_body, None)

            c0 = pltpu.async_copy(xp_hbm.at[f00], g00b, sem_g)
            c1 = pltpu.async_copy(xp_hbm.at[f01], g01b, sem_g)
            c2 = pltpu.async_copy(xp_hbm.at[f10], g10b, sem_g)
            c3 = pltpu.async_copy(xp_hbm.at[f11], g11b, sem_g)
            c0.wait()
            c1.wait()
            c2.wait()
            c3.wait()

            def mix_body(t, carry):
                off = t * 16
                _x0, _y0, wx, wy = coords(t, k, dxv, dyv)
                ox = 1.0 - wx
                oy = 1.0 - wy
                s = pl.ds(off, 16)
                acc = (oy * (g00b[s] * ox + g01b[s] * wx)
                       + wy * (g10b[s] * ox + g11b[s] * wx))
                outv[s] = acc
                return carry

            lax.fori_loop(0, VECS, mix_body, None)

        pltpu.async_copy(outv, out_hbm.at[pl.ds(obase + k * C, C)], sem_o)

    def pair_body(m, carry):
        chunk_k(2 * m, dxv0, dyv0, dxv1, dyv1, outv0, sem_u0, sem_u1,
                sem_o0)
        chunk_k(2 * m + 1, dxv1, dyv1, dxv0, dyv0, outv1, sem_u1, sem_u0,
                sem_o1)
        return carry

    lax.fori_loop(0, NUM_CHUNKS // 2, pair_body, None)

    pltpu.make_async_copy(outv0, out_hbm.at[pl.ds(obase, C)], sem_o0).wait()
    pltpu.make_async_copy(outv1, out_hbm.at[pl.ds(obase, C)], sem_o1).wait()
    pltpu.make_async_copy(dx_hbm.at[pl.ds(ubase, C)], dxv0, sem_u0).wait()
    pltpu.make_async_copy(dy_hbm.at[pl.ds(ubase, C)], dyv0, sem_u0).wait()
    pltpu.make_async_copy(xp_hbm.at[pl.ds(pbase, BLKW)],
                          win.at[pl.ds(0, BLKW)], sem_pref).wait()


@jax.jit
def _warp_call(xp_flat, dx_flat, dy_flat):
    mesh = plsc.VectorSubcoreMesh(core_axis_name="c", subcore_axis_name="s")
    f = pl.kernel(
        _warp_body,
        out_type=jax.ShapeDtypeStruct((P * IMG,), jnp.float32),
        mesh=mesh,
        compiler_params=pltpu.CompilerParams(needs_layout_passes=False),
        scratch_types=[
            pltpu.VMEM((WINW + 16,), jnp.float32),
            pltpu.VMEM((C,), jnp.float32),
            pltpu.VMEM((C,), jnp.float32),
            pltpu.VMEM((C,), jnp.float32),
            pltpu.VMEM((C,), jnp.float32),
            pltpu.VMEM((C,), jnp.float32),
            pltpu.VMEM((C,), jnp.float32),
            pltpu.VMEM((C,), jnp.int32),
            pltpu.VMEM((C,), jnp.int32),
            pltpu.VMEM((C,), jnp.int32),
            pltpu.VMEM((C,), jnp.int32),
            pltpu.VMEM((C,), jnp.float32),
            pltpu.VMEM((C,), jnp.float32),
            pltpu.VMEM((C,), jnp.float32),
            pltpu.VMEM((C,), jnp.float32),
            pltpu.SemaphoreType.DMA,
            pltpu.SemaphoreType.DMA,
            pltpu.SemaphoreType.DMA,
            pltpu.SemaphoreType.DMA,
            pltpu.SemaphoreType.DMA,
            pltpu.SemaphoreType.DMA,
        ],
    )
    return f(xp_flat, dx_flat, dy_flat)


def kernel(x, u):
    xp = jnp.zeros((4, PROWS, NP), jnp.float32)
    xp = xp.at[:, 1:M + 1, 1:N + 1].set(x)
    out = _warp_call(xp.reshape(-1), u[..., 0].reshape(-1),
                     u[..., 1].reshape(-1))
    return out.reshape(u.shape[:-1])

# --- scband reference (transcript-rebuilt; emitter-appended) ---
"""Pipeline reference for scband-warp-forward-10239202034200 (READ-ONLY COPY).

The authoritative reference and input builder live on the scoring server;
editing this copy changes nothing except your own understanding.
"""

import jax, jax.numpy as jnp
import numpy as np


def _warp(img, flow):
    # img: [P, M, N], flow: [P, M, N, 2] (flow[...,0]=dx along cols, flow[...,1]=dy along rows)
    P, M, N = img.shape
    gy, gx = jnp.meshgrid(jnp.arange(M, dtype=jnp.float32), jnp.arange(N, dtype=jnp.float32), indexing='ij')
    xs = gx[None] + flow[..., 0]
    ys = gy[None] + flow[..., 1]
    x0 = jnp.floor(xs)
    y0 = jnp.floor(ys)
    x1 = x0 + 1.0
    y1 = y0 + 1.0
    wx = xs - x0
    wy = ys - y0
    img_flat = img.reshape(P, M * N)

    def gather(yc, xc):
        valid = (xc >= 0) & (xc <= N - 1) & (yc >= 0) & (yc <= M - 1)
        xi = jnp.clip(xc, 0, N - 1).astype(jnp.int32)
        yi = jnp.clip(yc, 0, M - 1).astype(jnp.int32)
        flat_idx = (yi * N + xi).reshape(P, M * N)
        vals = jnp.take_along_axis(img_flat, flat_idx, axis=1).reshape(P, M, N)
        return jnp.where(valid, vals, 0.0)

    v00 = gather(y0, x0)
    v01 = gather(y0, x1)
    v10 = gather(y1, x0)
    v11 = gather(y1, x1)
    return (v00 * (1.0 - wx) * (1.0 - wy)
            + v01 * wx * (1.0 - wy)
            + v10 * (1.0 - wx) * wy
            + v11 * wx * wy)


def setup_inputs(seed: int = 0) -> dict:
    key = jax.random.key(seed)
    k1, k2 = jax.random.split(key)
    x = jax.random.normal(k1, (4, 512, 512), dtype=jnp.float32)
    u = jax.random.normal(k2, (4, 8, 512, 512, 2), dtype=jnp.float32)
    return {"x": x, "u": u}


def reference(x, u):
    out_shape = u.shape[:-1]
    M, N = u.shape[-3], u.shape[-2]
    K = u.shape[-4]
    # repeat_interleave of unsqueeze(-3) along dim -3 == broadcast to K copies
    xr = jnp.broadcast_to(jnp.expand_dims(x, -3), x.shape[:-2] + (K, M, N)).reshape(-1, M, N)
    ur = u.reshape(-1, M, N, 2)
    Wx = _warp(xr, ur)
    return jnp.reshape(Wx, out_shape)

if __name__ == "__main__":
    import jax
    _d = setup_inputs()
    print(jax.jit(kernel)(*tuple(_d.values())))

</pallas_src>

<mosaic_0001>
#map = affine_map<(d0, d1) -> (0)>
module attributes {stable_mosaic.version = 14 : i64} {
  func.func @_warp_body(%arg0: i32, %arg1: i32, %arg2: memref<1392640xf32, #tpu.memory_space<hbm>>, %arg3: memref<8388608xf32, #tpu.memory_space<hbm>>, %arg4: memref<8388608xf32, #tpu.memory_space<hbm>>, %arg5: memref<8388608xf32, #tpu.memory_space<hbm>>, %arg6: memref<40976xf32, #tpu.memory_space<vmem>>, %arg7: memref<4096xf32, #tpu.memory_space<vmem>>, %arg8: memref<4096xf32, #tpu.memory_space<vmem>>, %arg9: memref<4096xf32, #tpu.memory_space<vmem>>, %arg10: memref<4096xf32, #tpu.memory_space<vmem>>, %arg11: memref<4096xf32, #tpu.memory_space<vmem>>, %arg12: memref<4096xf32, #tpu.memory_space<vmem>>, %arg13: memref<4096xi32, #tpu.memory_space<vmem>>, %arg14: memref<4096xi32, #tpu.memory_space<vmem>>, %arg15: memref<4096xi32, #tpu.memory_space<vmem>>, %arg16: memref<4096xi32, #tpu.memory_space<vmem>>, %arg17: memref<4096xf32, #tpu.memory_space<vmem>>, %arg18: memref<4096xf32, #tpu.memory_space<vmem>>, %arg19: memref<4096xf32, #tpu.memory_space<vmem>>, %arg20: memref<4096xf32, #tpu.memory_space<vmem>>, %arg21: memref<!tpu.dma_semaphore, #tpu.memory_space<semaphore_mem>>, %arg22: memref<!tpu.dma_semaphore, #tpu.memory_space<semaphore_mem>>, %arg23: memref<!tpu.dma_semaphore, #tpu.memory_space<semaphore_mem>>, %arg24: memref<!tpu.dma_semaphore, #tpu.memory_space<semaphore_mem>>, %arg25: memref<!tpu.dma_semaphore, #tpu.memory_space<semaphore_mem>>, %arg26: memref<!tpu.dma_semaphore, #tpu.memory_space<semaphore_mem>>) attributes {dimension_semantics = [#tpu.dimension_semantics<core_parallel>, #tpu.dimension_semantics<subcore_parallel>], iteration_bounds = array<i64: 2, 16>, scalar_prefetch = 0 : i64, scratch_operands = 21 : i64, tpu.core_type = #tpu.core_type<sc_vector_subcore>, window_params = [{transform_indices = #map}, {transform_indices = #map}, {transform_indices = #map}, {transform_indices = #map}]} {
    %mul3A = arith.constant 2 : i32
    %mul3A_0 = arith.muli %arg1, %mul3A : i32
    %add3A = arith.addi %mul3A_0, %arg0 : i32
    %jit3A = arith.constant 8 : i32
    %div3A = arith.divsi %add3A, %jit3A : i32
    %sign3A = arith.constant 0 : i32
    %sign3A_1 = arith.cmpi sgt, %add3A, %sign3A : i32
    %sign3A_2 = arith.extui %sign3A_1 : i1 to i32
    %sign3A_3 = arith.constant 0 : i32
    %sign3A_4 = arith.cmpi slt, %add3A, %sign3A_3 : i32
    %sign3A_5 = arith.extui %sign3A_4 : i1 to i32
    %sign3A_6 = arith.subi %sign3A_2, %sign3A_5 : i32
    %sign3A_7 = arith.constant 0 : i32
    %sign3A_8 = arith.cmpi sgt, %jit3A, %sign3A_7 : i32
    %sign3A_9 = arith.extui %sign3A_8 : i1 to i32
    %sign3A_10 = arith.constant 0 : i32
    %sign3A_11 = arith.cmpi slt, %jit3A, %sign3A_10 : i32
    %sign3A_12 = arith.extui %sign3A_11 : i1 to i32
    %sign3A_13 = arith.subi %sign3A_9, %sign3A_12 : i32
    %ne3A = arith.cmpi ne, %sign3A_6, %sign3A_13 : i32
    %rem3A = arith.remsi %add3A, %jit3A : i32
    %ne3A_14 = arith.constant 0 : i32
    %ne3A_15 = arith.cmpi ne, %rem3A, %ne3A_14 : i32
    %and3A = arith.andi %ne3A, %ne3A_15 : i1
    %sub3A = arith.constant 1 : i32
    %sub3A_16 = arith.subi %div3A, %sub3A : i32
    %select_n3A = arith.select %and3A, %sub3A_16, %div3A : i32
    %mul3A_17 = arith.constant 348160 : i32
    %mul3A_18 = arith.muli %select_n3A, %mul3A_17 : i32
    %mul3A_19 = arith.constant 262144 : i32
    %mul3A_20 = arith.muli %add3A, %mul3A_19 : i32
    %mul3A_21 = arith.constant 262144 : i32
    %mul3A_22 = arith.muli %add3A, %mul3A_21 : i32
    %iota3A = tpu.iota {dimensions = array<i32: 0>} : vector<16xi32>
    %convert_element_type3A = arith.sitofp %iota3A : vector<16xi32> to vector<16xf32>
    %broadcast_in_dim3A = arith.constant 0.000000e+00 : f32
    %broadcast_in_dim3A_23 = vector.broadcast %broadcast_in_dim3A : f32 to vector<16xf32>
    %scan3A = arith.constant 0 : i32
    %scan3A_24 = arith.constant 2561 : i32
    %scan3A_25 = arith.addi %scan3A, %scan3A_24 : i32
    %scan3A_26 = arith.constant 1 : i32
    scf.for %scan3A_57 = %scan3A to %scan3A_25 step %scan3A_26  : i32 {
      %mul3A_58 = arith.constant 16 : i32
      %mul3A_59 = arith.muli %scan3A_57, %mul3A_58 : i32
      %swap3A = arith.index_cast %mul3A_59 : i32 to index
      %swap3A_60 = tpu.vector_load %arg6[%swap3A] {strides = array<i32>} : memref<40976xf32, #tpu.memory_space<vmem>>, vector<16xf32>,
      tpu.vector_store %arg6[%swap3A], %broadcast_in_dim3A_23 {strides = array<i32>} : memref<40976xf32, #tpu.memory_space<vmem>>, vector<16xf32>,
    }
    %scan3A_27 = arith.constant 2561 : i32
    "tpu.region"() ({
      %run_scoped3A = tpu.sem_alloc : memref<!tpu.dma_semaphore, #tpu.memory_space<semaphore_mem>>
      %dma_start3A_57 = arith.constant 0 : i32
      %dma_start3A_58 = tpu.memref_slice %arg6[%dma_start3A_57] : memref<40976xf32, #tpu.memory_space<vmem>> -> memref<15360xf32, #tpu.memory_space<vmem>>
      %dma_start3A_59 = tpu.memref_slice %arg2[%mul3A_18] : memref<1392640xf32, #tpu.memory_space<hbm>> -> memref<15360xf32, #tpu.memory_space<hbm>>
      %dma_start3A_60 = arith.constant 0 : i32
      %dma_start3A_61 = tpu.memref_slice %arg6[%dma_start3A_60] : memref<40976xf32, #tpu.memory_space<vmem>> -> memref<15360xf32, #tpu.memory_space<vmem>>
      %dma_start3A_62 = tpu.memref_slice %arg2[%mul3A_18] : memref<1392640xf32, #tpu.memory_space<hbm>> -> memref<15360xf32, #tpu.memory_space<hbm>>
      tpu.enqueue_dma source(%dma_start3A_62 : memref<15360xf32, #tpu.memory_space<hbm>>) target(%dma_start3A_61 : memref<15360xf32, #tpu.memory_space<vmem>>) target_semaphore(%run_scoped3A : memref<!tpu.dma_semaphore, #tpu.memory_space<semaphore_mem>>)
      %dma_wait3A_63 = arith.constant 0 : i32
      %dma_wait3A_64 = tpu.memref_slice %arg6[%dma_wait3A_63] : memref<40976xf32, #tpu.memory_space<vmem>> -> memref<15360xf32, #tpu.memory_space<vmem>>
      %dma_wait3A_65 = tpu.memref_slice %arg2[%mul3A_18] : memref<1392640xf32, #tpu.memory_space<hbm>> -> memref<15360xf32, #tpu.memory_space<hbm>>
      %dma_wait3A_66 = arith.constant 0 : i32
      %dma_wait3A_67 = tpu.memref_slice %arg6[%dma_wait3A_66] : memref<40976xf32, #tpu.memory_space<vmem>> -> memref<15360xf32, #tpu.memory_space<vmem>>
      %dma_wait3A_68 = tpu.memref_slice %arg2[%mul3A_18] : memref<1392640xf32, #tpu.memory_space<hbm>> -> memref<15360xf32, #tpu.memory_space<hbm>>
      tpu.wait_dma2 semaphore(%run_scoped3A : memref<!tpu.dma_semaphore, #tpu.memory_space<semaphore_mem>>) src(%dma_wait3A_68 : memref<15360xf32, #tpu.memory_space<hbm>>) dst(%dma_wait3A_67 : memref<15360xf32, #tpu.memory_space<vmem>>)
      tpu.yield
    }) : () -> ()
    %add3A_28 = arith.constant 15360 : i32
    %add3A_29 = arith.addi %mul3A_18, %add3A_28 : i32
    %dma_start3A = arith.constant 15360 : i32
    %dma_start3A_30 = tpu.memref_slice %arg6[%dma_start3A] : memref<40976xf32, #tpu.memory_space<vmem>> -> memref<5120xf32, #tpu.memory_space<vmem>>
    %dma_start3A_31 = tpu.memref_slice %arg2[%add3A_29] : memref<1392640xf32, #tpu.memory_space<hbm>> -> memref<5120xf32, #tpu.memory_space<hbm>>
    %dma_start3A_32 = arith.constant 15360 : i32
    %dma_start3A_33 = tpu.memref_slice %arg6[%dma_start3A_32] : memref<40976xf32, #tpu.memory_space<vmem>> -> memref<5120xf32, #tpu.memory_space<vmem>>
    %dma_start3A_34 = tpu.memref_slice %arg2[%add3A_29] : memref<1392640xf32, #tpu.memory_space<hbm>> -> memref<5120xf32, #tpu.memory_space<hbm>>
    tpu.enqueue_dma source(%dma_start3A_34 : memref<5120xf32, #tpu.memory_space<hbm>>) target(%dma_start3A_33 : memref<5120xf32, #tpu.memory_space<vmem>>) target_semaphore(%arg25 : memref<!tpu.dma_semaphore, #tpu.memory_space<semaphore_mem>>)
    %dma_start3A_35 = tpu.memref_slice %arg3[%mul3A_20] : memref<8388608xf32, #tpu.memory_space<hbm>> -> memref<4096xf32, #tpu.memory_space<hbm>>
    %dma_start3A_36 = tpu.memref_slice %arg3[%mul3A_20] : memref<8388608xf32, #tpu.memory_space<hbm>> -> memref<4096xf32, #tpu.memory_space<hbm>>
    tpu.enqueue_dma source(%dma_start3A_36 : memref<4096xf32, #tpu.memory_space<hbm>>) target(%arg7 : memref<4096xf32, #tpu.memory_space<vmem>>) target_semaphore(%arg21 : memref<!tpu.dma_semaphore, #tpu.memory_space<semaphore_mem>>)
    %dma_start3A_37 = tpu.memref_slice %arg4[%mul3A_20] : memref<8388608xf32, #tpu.memory_space<hbm>> -> memref<4096xf32, #tpu.memory_space<hbm>>
    %dma_start3A_38 = tpu.memref_slice %arg4[%mul3A_20] : memref<8388608xf32, #tpu.memory_space<hbm>> -> memref<4096xf32, #tpu.memory_space<hbm>>
    tpu.enqueue_dma source(%dma_start3A_38 : memref<4096xf32, #tpu.memory_space<hbm>>) target(%arg8 : memref<4096xf32, #tpu.memory_space<vmem>>) target_semaphore(%arg21 : memref<!tpu.dma_semaphore, #tpu.memory_space<semaphore_mem>>)
    %scan3A_39 = arith.constant 0 : i32
    %scan3A_40 = arith.constant 32 : i32
    %scan3A_41 = arith.addi %scan3A_39, %scan3A_40 : i32
    %scan3A_42 = arith.constant 1 : i32
    scf.for %scan3A_57 = %scan3A_39 to %scan3A_41 step %scan3A_42  : i32 {
      %mul3A_58 = arith.constant 2 : i32
      %mul3A_59 = arith.muli %mul3A_58, %scan3A_57 : i32
      %dma_wait3A_60 = tpu.memref_slice %arg3[%mul3A_20] : memref<8388608xf32, #tpu.memory_space<hbm>> -> memref<4096xf32, #tpu.memory_space<hbm>>
      %dma_wait3A_61 = tpu.memref_slice %arg3[%mul3A_20] : memref<8388608xf32, #tpu.memory_space<hbm>> -> memref<4096xf32, #tpu.memory_space<hbm>>
      tpu.wait_dma2 semaphore(%arg21 : memref<!tpu.dma_semaphore, #tpu.memory_space<semaphore_mem>>) src(%dma_wait3A_61 : memref<4096xf32, #tpu.memory_space<hbm>>) dst(%arg7 : memref<4096xf32, #tpu.memory_space<vmem>>)
      %dma_wait3A_62 = tpu.memref_slice %arg4[%mul3A_20] : memref<8388608xf32, #tpu.memory_space<hbm>> -> memref<4096xf32, #tpu.memory_space<hbm>>
      %dma_wait3A_63 = tpu.memref_slice %arg4[%mul3A_20] : memref<8388608xf32, #tpu.memory_space<hbm>> -> memref<4096xf32, #tpu.memory_space<hbm>>
      tpu.wait_dma2 semaphore(%arg21 : memref<!tpu.dma_semaphore, #tpu.memory_space<semaphore_mem>>) src(%dma_wait3A_63 : memref<4096xf32, #tpu.memory_space<hbm>>) dst(%arg8 : memref<4096xf32, #tpu.memory_space<vmem>>)
      %add3A_64 = arith.constant 1 : i32
      %add3A_65 = arith.addi %mul3A_59, %add3A_64 : i32
      %min3A = arith.constant 63 : i32
      %min3A_66 = arith.minsi %add3A_65, %min3A : i32
      %mul3A_67 = arith.constant 4096 : i32
      %mul3A_68 = arith.muli %min3A_66, %mul3A_67 : i32
      %add3A_69 = arith.addi %mul3A_20, %mul3A_68 : i32
      %dma_start3A_70 = tpu.memref_slice %arg3[%add3A_69] : memref<8388608xf32, #tpu.memory_space<hbm>> -> memref<4096xf32, #tpu.memory_space<hbm>>
      %dma_start3A_71 = tpu.memref_slice %arg3[%add3A_69] : memref<8388608xf32, #tpu.memory_space<hbm>> -> memref<4096xf32, #tpu.memory_space<hbm>>
      tpu.enqueue_dma source(%dma_start3A_71 : memref<4096xf32, #tpu.memory_space<hbm>>) target(%arg9 : memref<4096xf32, #tpu.memory_space<vmem>>) target_semaphore(%arg22 : memref<!tpu.dma_semaphore, #tpu.memory_space<semaphore_mem>>)
      %mul3A_72 = arith.constant 4096 : i32
      %mul3A_73 = arith.muli %min3A_66, %mul3A_72 : i32
      %add3A_74 = arith.addi %mul3A_20, %mul3A_73 : i32
      %dma_start3A_75 = tpu.memref_slice %arg4[%add3A_74] : memref<8388608xf32, #tpu.memory_space<hbm>> -> memref<4096xf32, #tpu.memory_space<hbm>>
      %dma_start3A_76 = tpu.memref_slice %arg4[%add3A_74] : memref<8388608xf32, #tpu.memory_space<hbm>> -> memref<4096xf32, #tpu.memory_space<hbm>>
      tpu.enqueue_dma source(%dma_start3A_76 : memref<4096xf32, #tpu.memory_space<hbm>>) target(%arg10 : memref<4096xf32, #tpu.memory_space<vmem>>) target_semaphore(%arg22 : memref<!tpu.dma_semaphore, #tpu.memory_space<semaphore_mem>>)
      %dma_wait3A_77 = arith.constant 0 : i32
      %dma_wait3A_78 = tpu.memref_slice %arg6[%dma_wait3A_77] : memref<40976xf32, #tpu.memory_space<vmem>> -> memref<5120xf32, #tpu.memory_space<vmem>>
      %dma_wait3A_79 = tpu.memref_slice %arg2[%mul3A_18] : memref<1392640xf32, #tpu.memory_space<hbm>> -> memref<5120xf32, #tpu.memory_space<hbm>>
      %dma_wait3A_80 = arith.constant 0 : i32
      %dma_wait3A_81 = tpu.memref_slice %arg6[%dma_wait3A_80] : memref<40976xf32, #tpu.memory_space<vmem>> -> memref<5120xf32, #tpu.memory_space<vmem>>
      %dma_wait3A_82 = tpu.memref_slice %arg2[%mul3A_18] : memref<1392640xf32, #tpu.memory_space<hbm>> -> memref<5120xf32, #tpu.memory_space<hbm>>
      tpu.wait_dma2 semaphore(%arg25 : memref<!tpu.dma_semaphore, #tpu.memory_space<semaphore_mem>>) src(%dma_wait3A_82 : memref<5120xf32, #tpu.memory_space<hbm>>) dst(%dma_wait3A_81 : memref<5120xf32, #tpu.memory_space<vmem>>)
      %add3A_83 = arith.constant 4 : i32
      %add3A_84 = arith.addi %mul3A_59, %add3A_83 : i32
      %and3A_85 = arith.constant 7 : i32
      %and3A_86 = arith.andi %add3A_84, %and3A_85 : i32
      %mul3A_87 = arith.constant 5120 : i32
      %mul3A_88 = arith.muli %add3A_84, %mul3A_87 : i32
      %add3A_89 = arith.addi %mul3A_18, %mul3A_88 : i32
      %mul3A_90 = arith.constant 5120 : i32
      %mul3A_91 = arith.muli %and3A_86, %mul3A_90 : i32
      %dma_start3A_92 = tpu.memref_slice %arg6[%mul3A_91] : memref<40976xf32, #tpu.memory_space<vmem>> -> memref<5120xf32, #tpu.memory_space<vmem>>
      %dma_start3A_93 = tpu.memref_slice %arg2[%add3A_89] : memref<1392640xf32, #tpu.memory_space<hbm>> -> memref<5120xf32, #tpu.memory_space<hbm>>
      %dma_start3A_94 = tpu.memref_slice %arg6[%mul3A_91] : memref<40976xf32, #tpu.memory_space<vmem>> -> memref<5120xf32, #tpu.memory_space<vmem>>
      %dma_start3A_95 = tpu.memref_slice %arg2[%add3A_89] : memref<1392640xf32, #tpu.memory_space<hbm>> -> memref<5120xf32, #tpu.memory_space<hbm>>
      tpu.enqueue_dma source(%dma_start3A_95 : memref<5120xf32, #tpu.memory_space<hbm>>) target(%dma_start3A_94 : memref<5120xf32, #tpu.memory_space<vmem>>) target_semaphore(%arg25 : memref<!tpu.dma_semaphore, #tpu.memory_space<semaphore_mem>>)
      %mul3A_96 = arith.constant 8 : i32
      %mul3A_97 = arith.muli %mul3A_59, %mul3A_96 : i32
      %sub3A_98 = arith.constant 24 : i32
      %sub3A_99 = arith.subi %mul3A_97, %sub3A_98 : i32
      %mul3A_100 = arith.constant 8 : i32
      %mul3A_101 = arith.muli %mul3A_59, %mul3A_100 : i32
      %add3A_102 = arith.constant 31 : i32
      %add3A_103 = arith.addi %mul3A_101, %add3A_102 : i32
      %ge3A = arith.constant 2 : i32
      %ge3A_104 = arith.cmpi sge, %mul3A_59, %ge3A : i32
      %convert_element_type3A_105 = arith.extui %ge3A_104 : i1 to i32
      %cond3A = arith.constant 0 : i32
      %cond3A_106 = arith.cmpi ne, %convert_element_type3A_105, %cond3A : i32
      scf.if %cond3A_106 {
        %dma_wait3A_206 = tpu.memref_slice %arg5[%mul3A_22] : memref<8388608xf32, #tpu.memory_space<hbm>> -> memref<4096xf32, #tpu.memory_space<hbm>>
        %dma_wait3A_207 = tpu.memref_slice %arg5[%mul3A_22] : memref<8388608xf32, #tpu.memory_space<hbm>> -> memref<4096xf32, #tpu.memory_space<hbm>>
        tpu.wait_dma2 semaphore(%arg23 : memref<!tpu.dma_semaphore, #tpu.memory_space<semaphore_mem>>) src(%arg11 : memref<4096xf32, #tpu.memory_space<vmem>>) dst(%dma_wait3A_207 : memref<4096xf32, #tpu.memory_space<hbm>>)
      } else {
      }
      %broadcast_in_dim3A_107 = arith.constant 0 : i32
      %broadcast_in_dim3A_108 = vector.broadcast %broadcast_in_dim3A_107 : i32 to vector<16xi32>
      %parallel_loop3A = arith.constant 0 : i32
      %parallel_loop3A_109 = arith.constant 256 : i32
      %parallel_loop3A_110 = arith.constant 1 : i32
      %parallel_loop3A_111 = scf.for %parallel_loop3A_206 = %parallel_loop3A to %parallel_loop3A_109 step %parallel_loop3A_110 iter_args(%parallel_loop3A_207 = %broadcast_in_dim3A_108) -> (vector<16xi32>)  : i32 {
        %parallel_loop3A_208 = arith.constant 16 : i32
        %parallel_loop3A_209 = arith.muli %parallel_loop3A_206, %parallel_loop3A_208 : i32
        %parallel_loop3A_210 = arith.constant 16 : i32
        %parallel_loop3A_211 = arith.muli %parallel_loop3A_206, %parallel_loop3A_210 : i32
        %parallel_loop3A_212 = arith.index_cast %parallel_loop3A_211 : i32 to index
        %parallel_loop3A_213 = tpu.vector_load %arg7[%parallel_loop3A_212] {strides = array<i32>} : memref<4096xf32, #tpu.memory_space<vmem>>, vector<16xf32>,
        %parallel_loop3A_214 = arith.index_cast %parallel_loop3A_211 : i32 to index
        %parallel_loop3A_215 = tpu.vector_load %arg8[%parallel_loop3A_214] {strides = array<i32>} : memref<4096xf32, #tpu.memory_space<vmem>>, vector<16xf32>,
        %parallel_loop3A_216 = arith.constant 31 : i32
        %parallel_loop3A_217 = arith.andi %parallel_loop3A_206, %parallel_loop3A_216 : i32
        %parallel_loop3A_218 = arith.constant 16 : i32
        %parallel_loop3A_219 = arith.muli %parallel_loop3A_217, %parallel_loop3A_218 : i32
        %parallel_loop3A_220 = arith.constant 1 : i32
        %parallel_loop3A_221 = arith.addi %parallel_loop3A_219, %parallel_loop3A_220 : i32
        %parallel_loop3A_222 = arith.sitofp %parallel_loop3A_221 : i32 to f32
        %parallel_loop3A_223 = arith.constant 8 : i32
        %parallel_loop3A_224 = arith.muli %mul3A_59, %parallel_loop3A_223 : i32
        %parallel_loop3A_225 = arith.constant 5 : i32
        %parallel_loop3A_226 = arith.shrsi %parallel_loop3A_206, %parallel_loop3A_225 : i32
        %parallel_loop3A_227 = arith.addi %parallel_loop3A_224, %parallel_loop3A_226 : i32
        %parallel_loop3A_228 = arith.constant 1 : i32
        %parallel_loop3A_229 = arith.addi %parallel_loop3A_227, %parallel_loop3A_228 : i32
        %parallel_loop3A_230 = arith.sitofp %parallel_loop3A_229 : i32 to f32
        %parallel_loop3A_231 = arith.addf %parallel_loop3A_213, %convert_element_type3A : vector<16xf32>
        %parallel_loop3A_232 = vector.broadcast %parallel_loop3A_222 : f32 to vector<16xf32>
        %parallel_loop3A_233 = arith.addf %parallel_loop3A_231, %parallel_loop3A_232 : vector<16xf32>
        %parallel_loop3A_234 = vector.broadcast %parallel_loop3A_230 : f32 to vector<16xf32>
        %parallel_loop3A_235 = arith.addf %parallel_loop3A_215, %parallel_loop3A_234 : vector<16xf32>
        %parallel_loop3A_236 = arith.constant 0.000000e+00 : f32
        %parallel_loop3A_237 = vector.broadcast %parallel_loop3A_236 : f32 to vector<16xf32>
        %parallel_loop3A_238 = arith.maximumf %parallel_loop3A_233, %parallel_loop3A_237 : vector<16xf32>
        %parallel_loop3A_239 = arith.constant 5.130000e+02 : f32
        %parallel_loop3A_240 = vector.broadcast %parallel_loop3A_239 : f32 to vector<16xf32>
        %parallel_loop3A_241 = arith.minimumf %parallel_loop3A_238, %parallel_loop3A_240 : vector<16xf32>
        %parallel_loop3A_242 = arith.constant 0.000000e+00 : f32
        %parallel_loop3A_243 = vector.broadcast %parallel_loop3A_242 : f32 to vector<16xf32>
        %parallel_loop3A_244 = arith.maximumf %parallel_loop3A_235, %parallel_loop3A_243 : vector<16xf32>
        %parallel_loop3A_245 = arith.constant 5.130000e+02 : f32
        %parallel_loop3A_246 = vector.broadcast %parallel_loop3A_245 : f32 to vector<16xf32>
        %parallel_loop3A_247 = arith.minimumf %parallel_loop3A_244, %parallel_loop3A_246 : vector<16xf32>
        %parallel_loop3A_248 = arith.fptosi %parallel_loop3A_241 : vector<16xf32> to vector<16xi32>
        %parallel_loop3A_249 = arith.fptosi %parallel_loop3A_247 : vector<16xf32> to vector<16xi32>
        %parallel_loop3A_250 = arith.sitofp %parallel_loop3A_248 : vector<16xi32> to vector<16xf32>
        %parallel_loop3A_251 = arith.subf %parallel_loop3A_241, %parallel_loop3A_250 : vector<16xf32>
        %parallel_loop3A_252 = arith.sitofp %parallel_loop3A_249 : vector<16xi32> to vector<16xf32>
        %parallel_loop3A_253 = arith.subf %parallel_loop3A_247, %parallel_loop3A_252 : vector<16xf32>
        %parallel_loop3A_254 = arith.constant 1 : i32
        %parallel_loop3A_255 = vector.broadcast %parallel_loop3A_254 : i32 to vector<16xi32>
        %parallel_loop3A_256 = arith.addi %parallel_loop3A_249, %parallel_loop3A_255 : vector<16xi32>
        %parallel_loop3A_257 = arith.constant 1 : i32
        %parallel_loop3A_258 = vector.broadcast %parallel_loop3A_257 : i32 to vector<16xi32>
        %parallel_loop3A_259 = arith.addi %parallel_loop3A_248, %parallel_loop3A_258 : vector<16xi32>
        %parallel_loop3A_260 = vector.broadcast %sub3A_99 : i32 to vector<16xi32>
        %parallel_loop3A_261 = arith.cmpi sge, %parallel_loop3A_249, %parallel_loop3A_260 : vector<16xi32>
        %parallel_loop3A_262 = vector.broadcast %add3A_103 : i32 to vector<16xi32>
        %parallel_loop3A_263 = arith.cmpi slt, %parallel_loop3A_249, %parallel_loop3A_262 : vector<16xi32>
        %parallel_loop3A_264 = arith.andi %parallel_loop3A_261, %parallel_loop3A_263 : vector<16xi1>
        %parallel_loop3A_265 = arith.constant dense<true> : vector<16xi1>
        %parallel_loop3A_266 = arith.xori %parallel_loop3A_264, %parallel_loop3A_265 : vector<16xi1>
        %parallel_loop3A_267 = arith.constant 63 : i32
        %parallel_loop3A_268 = vector.broadcast %parallel_loop3A_267 : i32 to vector<16xi32>
        %parallel_loop3A_269 = arith.andi %parallel_loop3A_249, %parallel_loop3A_268 : vector<16xi32>
        %parallel_loop3A_270 = arith.constant 640 : i32
        %parallel_loop3A_271 = vector.broadcast %parallel_loop3A_270 : i32 to vector<16xi32>
        %parallel_loop3A_272 = arith.muli %parallel_loop3A_269, %parallel_loop3A_271 : vector<16xi32>
        %parallel_loop3A_273 = arith.constant 63 : i32
        %parallel_loop3A_274 = vector.broadcast %parallel_loop3A_273 : i32 to vector<16xi32>
        %parallel_loop3A_275 = arith.andi %parallel_loop3A_256, %parallel_loop3A_274 : vector<16xi32>
        %parallel_loop3A_276 = arith.constant 640 : i32
        %parallel_loop3A_277 = vector.broadcast %parallel_loop3A_276 : i32 to vector<16xi32>
        %parallel_loop3A_278 = arith.muli %parallel_loop3A_275, %parallel_loop3A_277 : vector<16xi32>
        %parallel_loop3A_279 = arith.addi %parallel_loop3A_272, %parallel_loop3A_248 : vector<16xi32>
        %parallel_loop3A_280 = tpu.vector_load_idx %arg6[%parallel_loop3A_279] : memref<40976xf32, #tpu.memory_space<vmem>>[vector<16xi32>], vector<16xf32>,
        %parallel_loop3A_281 = arith.addi %parallel_loop3A_272, %parallel_loop3A_259 : vector<16xi32>
        %parallel_loop3A_282 = tpu.vector_load_idx %arg6[%parallel_loop3A_281] : memref<40976xf32, #tpu.memory_space<vmem>>[vector<16xi32>], vector<16xf32>,
        %parallel_loop3A_283 = arith.addi %parallel_loop3A_278, %parallel_loop3A_248 : vector<16xi32>
        %parallel_loop3A_284 = tpu.vector_load_idx %arg6[%parallel_loop3A_283] : memref<40976xf32, #tpu.memory_space<vmem>>[vector<16xi32>], vector<16xf32>,
        %parallel_loop3A_285 = arith.addi %parallel_loop3A_278, %parallel_loop3A_259 : vector<16xi32>
        %parallel_loop3A_286 = tpu.vector_load_idx %arg6[%parallel_loop3A_285] : memref<40976xf32, #tpu.memory_space<vmem>>[vector<16xi32>], vector<16xf32>,
        %parallel_loop3A_287 = arith.constant 1.000000e+00 : f32
        %parallel_loop3A_288 = vector.broadcast %parallel_loop3A_287 : f32 to vector<16xf32>
        %parallel_loop3A_289 = arith.subf %parallel_loop3A_288, %parallel_loop3A_251 : vector<16xf32>
        %parallel_loop3A_290 = arith.constant 1.000000e+00 : f32
        %parallel_loop3A_291 = vector.broadcast %parallel_loop3A_290 : f32 to vector<16xf32>
        %parallel_loop3A_292 = arith.subf %parallel_loop3A_291, %parallel_loop3A_253 : vector<16xf32>
        %parallel_loop3A_293 = arith.mulf %parallel_loop3A_280, %parallel_loop3A_289 : vector<16xf32>
        %parallel_loop3A_294 = arith.mulf %parallel_loop3A_282, %parallel_loop3A_251 : vector<16xf32>
        %parallel_loop3A_295 = arith.addf %parallel_loop3A_293, %parallel_loop3A_294 : vector<16xf32>
        %parallel_loop3A_296 = arith.mulf %parallel_loop3A_292, %parallel_loop3A_295 : vector<16xf32>
        %parallel_loop3A_297 = arith.mulf %parallel_loop3A_284, %parallel_loop3A_289 : vector<16xf32>
        %parallel_loop3A_298 = arith.mulf %parallel_loop3A_286, %parallel_loop3A_251 : vector<16xf32>
        %parallel_loop3A_299 = arith.addf %parallel_loop3A_297, %parallel_loop3A_298 : vector<16xf32>
        %parallel_loop3A_300 = arith.mulf %parallel_loop3A_253, %parallel_loop3A_299 : vector<16xf32>
        %parallel_loop3A_301 = arith.addf %parallel_loop3A_296, %parallel_loop3A_300 : vector<16xf32>
        %parallel_loop3A_302 = arith.index_cast %parallel_loop3A_209 : i32 to index
        %parallel_loop3A_303 = tpu.vector_load %arg11[%parallel_loop3A_302] {strides = array<i32>} : memref<4096xf32, #tpu.memory_space<vmem>>, vector<16xf32>,
        tpu.vector_store %arg11[%parallel_loop3A_302], %parallel_loop3A_301 {strides = array<i32>} : memref<4096xf32, #tpu.memory_space<vmem>>, vector<16xf32>,
        %parallel_loop3A_304 = arith.extui %parallel_loop3A_266 : vector<16xi1> to vector<16xi32>
        %parallel_loop3A_305 = arith.ori %parallel_loop3A_207, %parallel_loop3A_304 : vector<16xi32>
        scf.yield %parallel_loop3A_305 : vector<16xi32>
      } {sc.loop_unroll_factor = 4 : i64, sc.parallel_access}
      %reduce_max3A = arith.constant true
      %reduce_max3A_112 = vector.broadcast %reduce_max3A : i1 to vector<16xi1>
      %reduce_max3A_113 = arith.constant -2147483648 : i32
      %reduce_max3A_114 = vector.broadcast %reduce_max3A_113 : i32 to vector<16xi32>
      %reduce_max3A_115 = arith.xori %parallel_loop3A_111, %reduce_max3A_114 : vector<16xi32>
      %reduce_max3A_116 = tpu.scan <max>, %reduce_max3A_115 masked %reduce_max3A_112 : vector<16xi32>, vector<16xi1> -> vector<16xi32>
      %reduce_max3A_117 = arith.xori %reduce_max3A_116, %reduce_max3A_114 : vector<16xi32>
      %reduce_max3A_118 = vector.extract %reduce_max3A_117[15] : i32 from vector<16xi32>
      %gt3A = arith.constant 0 : i32
      %gt3A_119 = arith.cmpi sgt, %reduce_max3A_118, %gt3A : i32
      %convert_element_type3A_120 = arith.extui %gt3A_119 : i1 to i32
      %cond3A_121 = arith.constant 0 : i32
      %cond3A_122 = arith.cmpi ne, %convert_element_type3A_120, %cond3A_121 : i32
      scf.if %cond3A_122 {
        %scan3A_206 = arith.constant 0 : i32
        %scan3A_207 = arith.constant 256 : i32
        %scan3A_208 = arith.addi %scan3A_206, %scan3A_207 : i32
        %scan3A_209 = arith.constant 1 : i32
        scf.for %scan3A_232 = %scan3A_206 to %scan3A_208 step %scan3A_209  : i32 {
          %mul3A_233 = arith.constant 16 : i32
          %mul3A_234 = arith.muli %scan3A_232, %mul3A_233 : i32
          %mul3A_235 = arith.constant 16 : i32
          %mul3A_236 = arith.muli %scan3A_232, %mul3A_235 : i32
          %get3A = arith.index_cast %mul3A_236 : i32 to index
          %get3A_237 = tpu.vector_load %arg7[%get3A] {strides = array<i32>} : memref<4096xf32, #tpu.memory_space<vmem>>, vector<16xf32>,
          %get3A_238 = arith.index_cast %mul3A_236 : i32 to index
          %get3A_239 = tpu.vector_load %arg8[%get3A_238] {strides = array<i32>} : memref<4096xf32, #tpu.memory_space<vmem>>, vector<16xf32>,
          %and3A_240 = arith.constant 31 : i32
          %and3A_241 = arith.andi %scan3A_232, %and3A_240 : i32
          %mul3A_242 = arith.constant 16 : i32
          %mul3A_243 = arith.muli %and3A_241, %mul3A_242 : i32
          %add3A_244 = arith.constant 1 : i32
          %add3A_245 = arith.addi %mul3A_243, %add3A_244 : i32
          %convert_element_type3A_246 = arith.sitofp %add3A_245 : i32 to f32
          %mul3A_247 = arith.constant 8 : i32
          %mul3A_248 = arith.muli %mul3A_59, %mul3A_247 : i32
          %shift_right_arithmetic3A = arith.constant 5 : i32
          %shift_right_arithmetic3A_249 = arith.shrsi %scan3A_232, %shift_right_arithmetic3A : i32
          %add3A_250 = arith.addi %mul3A_248, %shift_right_arithmetic3A_249 : i32
          %add3A_251 = arith.constant 1 : i32
          %add3A_252 = arith.addi %add3A_250, %add3A_251 : i32
          %convert_element_type3A_253 = arith.sitofp %add3A_252 : i32 to f32
          %add3A_254 = arith.addf %get3A_237, %convert_element_type3A : vector<16xf32>
          %add3A_255 = vector.broadcast %convert_element_type3A_246 : f32 to vector<16xf32>
          %add3A_256 = arith.addf %add3A_254, %add3A_255 : vector<16xf32>
          %add3A_257 = vector.broadcast %convert_element_type3A_253 : f32 to vector<16xf32>
          %add3A_258 = arith.addf %get3A_239, %add3A_257 : vector<16xf32>
          %max3A = arith.constant 0.000000e+00 : f32
          %max3A_259 = vector.broadcast %max3A : f32 to vector<16xf32>
          %max3A_260 = arith.maximumf %add3A_256, %max3A_259 : vector<16xf32>
          %min3A_261 = arith.constant 5.130000e+02 : f32
          %min3A_262 = vector.broadcast %min3A_261 : f32 to vector<16xf32>
          %min3A_263 = arith.minimumf %max3A_260, %min3A_262 : vector<16xf32>
          %max3A_264 = arith.constant 0.000000e+00 : f32
          %max3A_265 = vector.broadcast %max3A_264 : f32 to vector<16xf32>
          %max3A_266 = arith.maximumf %add3A_258, %max3A_265 : vector<16xf32>
          %min3A_267 = arith.constant 5.130000e+02 : f32
          %min3A_268 = vector.broadcast %min3A_267 : f32 to vector<16xf32>
          %min3A_269 = arith.minimumf %max3A_266, %min3A_268 : vector<16xf32>
          %convert_element_type3A_270 = arith.fptosi %min3A_263 : vector<16xf32> to vector<16xi32>
          %convert_element_type3A_271 = arith.fptosi %min3A_269 : vector<16xf32> to vector<16xi32>
          %convert_element_type3A_272 = arith.sitofp %convert_element_type3A_270 : vector<16xi32> to vector<16xf32>
          %sub3A_273 = arith.subf %min3A_263, %convert_element_type3A_272 : vector<16xf32>
          %convert_element_type3A_274 = arith.sitofp %convert_element_type3A_271 : vector<16xi32> to vector<16xf32>
          %sub3A_275 = arith.subf %min3A_269, %convert_element_type3A_274 : vector<16xf32>
          %mul3A_276 = arith.constant 640 : i32
          %mul3A_277 = vector.broadcast %mul3A_276 : i32 to vector<16xi32>
          %mul3A_278 = arith.muli %convert_element_type3A_271, %mul3A_277 : vector<16xi32>
          %add3A_279 = vector.broadcast %mul3A_18 : i32 to vector<16xi32>
          %add3A_280 = arith.addi %mul3A_278, %add3A_279 : vector<16xi32>
          %add3A_281 = arith.constant 640 : i32
          %add3A_282 = vector.broadcast %add3A_281 : i32 to vector<16xi32>
          %add3A_283 = arith.addi %add3A_280, %add3A_282 : vector<16xi32>
          %add3A_284 = arith.addi %add3A_280, %convert_element_type3A_270 : vector<16xi32>
          %swap3A = arith.index_cast %mul3A_234 : i32 to index
          %swap3A_285 = tpu.vector_load %arg13[%swap3A] {strides = array<i32>} : memref<4096xi32, #tpu.memory_space<vmem>>, vector<16xi32>,
          tpu.vector_store %arg13[%swap3A], %add3A_284 {strides = array<i32>} : memref<4096xi32, #tpu.memory_space<vmem>>, vector<16xi32>,
          %add3A_286 = arith.addi %add3A_280, %convert_element_type3A_270 : vector<16xi32>
          %add3A_287 = arith.constant 1 : i32
          %add3A_288 = vector.broadcast %add3A_287 : i32 to vector<16xi32>
          %add3A_289 = arith.addi %add3A_286, %add3A_288 : vector<16xi32>
          %swap3A_290 = arith.index_cast %mul3A_234 : i32 to index
          %swap3A_291 = tpu.vector_load %arg14[%swap3A_290] {strides = array<i32>} : memref<4096xi32, #tpu.memory_space<vmem>>, vector<16xi32>,
          tpu.vector_store %arg14[%swap3A_290], %add3A_289 {strides = array<i32>} : memref<4096xi32, #tpu.memory_space<vmem>>, vector<16xi32>,
          %add3A_292 = arith.addi %add3A_283, %convert_element_type3A_270 : vector<16xi32>
          %swap3A_293 = arith.index_cast %mul3A_234 : i32 to index
          %swap3A_294 = tpu.vector_load %arg15[%swap3A_293] {strides = array<i32>} : memref<4096xi32, #tpu.memory_space<vmem>>, vector<16xi32>,
          tpu.vector_store %arg15[%swap3A_293], %add3A_292 {strides = array<i32>} : memref<4096xi32, #tpu.memory_space<vmem>>, vector<16xi32>,
          %add3A_295 = arith.addi %add3A_283, %convert_element_type3A_270 : vector<16xi32>
          %add3A_296 = arith.constant 1 : i32
          %add3A_297 = vector.broadcast %add3A_296 : i32 to vector<16xi32>
          %add3A_298 = arith.addi %add3A_295, %add3A_297 : vector<16xi32>
          %swap3A_299 = arith.index_cast %mul3A_234 : i32 to index
          %swap3A_300 = tpu.vector_load %arg16[%swap3A_299] {strides = array<i32>} : memref<4096xi32, #tpu.memory_space<vmem>>, vector<16xi32>,
          tpu.vector_store %arg16[%swap3A_299], %add3A_298 {strides = array<i32>} : memref<4096xi32, #tpu.memory_space<vmem>>, vector<16xi32>,
        }
        %scan3A_210 = arith.constant 256 : i32
        %dma_start3A_211 = arith.constant 0 : i32
        %dma_start3A_212 = tpu.memref_slice %arg2[%dma_start3A_211] : memref<1392640xf32, #tpu.memory_space<hbm>> -> memref<1392640xf32, #tpu.memory_space<hbm>>
        tpu.enqueue_indirect_dma source(%dma_start3A_212 : memref<1392640xf32, #tpu.memory_space<hbm>>) target(%arg17 : memref<4096xf32, #tpu.memory_space<vmem>>) offsets(%arg13 : memref<4096xi32, #tpu.memory_space<vmem>>) semaphore(%arg26 : memref<!tpu.dma_semaphore, #tpu.memory_space<semaphore_mem>>)
        %dma_start3A_213 = arith.constant 0 : i32
        %dma_start3A_214 = tpu.memref_slice %arg2[%dma_start3A_213] : memref<1392640xf32, #tpu.memory_space<hbm>> -> memref<1392640xf32, #tpu.memory_space<hbm>>
        tpu.enqueue_indirect_dma source(%dma_start3A_214 : memref<1392640xf32, #tpu.memory_space<hbm>>) target(%arg18 : memref<4096xf32, #tpu.memory_space<vmem>>) offsets(%arg14 : memref<4096xi32, #tpu.memory_space<vmem>>) semaphore(%arg26 : memref<!tpu.dma_semaphore, #tpu.memory_space<semaphore_mem>>)
        %dma_start3A_215 = arith.constant 0 : i32
        %dma_start3A_216 = tpu.memref_slice %arg2[%dma_start3A_215] : memref<1392640xf32, #tpu.memory_space<hbm>> -> memref<1392640xf32, #tpu.memory_space<hbm>>
        tpu.enqueue_indirect_dma source(%dma_start3A_216 : memref<1392640xf32, #tpu.memory_space<hbm>>) target(%arg19 : memref<4096xf32, #tpu.memory_space<vmem>>) offsets(%arg15 : memref<4096xi32, #tpu.memory_space<vmem>>) semaphore(%arg26 : memref<!tpu.dma_semaphore, #tpu.memory_space<semaphore_mem>>)
        %dma_start3A_217 = arith.constant 0 : i32
        %dma_start3A_218 = tpu.memref_slice %arg2[%dma_start3A_217] : memref<1392640xf32, #tpu.memory_space<hbm>> -> memref<1392640xf32, #tpu.memory_space<hbm>>
        tpu.enqueue_indirect_dma source(%dma_start3A_218 : memref<1392640xf32, #tpu.memory_space<hbm>>) target(%arg20 : memref<4096xf32, #tpu.memory_space<vmem>>) offsets(%arg16 : memref<4096xi32, #tpu.memory_space<vmem>>) semaphore(%arg26 : memref<!tpu.dma_semaphore, #tpu.memory_space<semaphore_mem>>)
        %dma_wait3A_219 = arith.constant 0 : i32
        %dma_wait3A_220 = tpu.memref_slice %arg2[%dma_wait3A_219] : memref<1392640xf32, #tpu.memory_space<hbm>> -> memref<1392640xf32, #tpu.memory_space<hbm>>
        tpu.wait_indirect_dma semaphore(%arg26 : memref<!tpu.dma_semaphore, #tpu.memory_space<semaphore_mem>>) src(%dma_wait3A_220 : memref<1392640xf32, #tpu.memory_space<hbm>>) dst(%arg17 : memref<4096xf32, #tpu.memory_space<vmem>>)
        %dma_wait3A_221 = arith.constant 0 : i32
        %dma_wait3A_222 = tpu.memref_slice %arg2[%dma_wait3A_221] : memref<1392640xf32, #tpu.memory_space<hbm>> -> memref<1392640xf32, #tpu.memory_space<hbm>>
        tpu.wait_indirect_dma semaphore(%arg26 : memref<!tpu.dma_semaphore, #tpu.memory_space<semaphore_mem>>) src(%dma_wait3A_222 : memref<1392640xf32, #tpu.memory_space<hbm>>) dst(%arg18 : memref<4096xf32, #tpu.memory_space<vmem>>)
        %dma_wait3A_223 = arith.constant 0 : i32
        %dma_wait3A_224 = tpu.memref_slice %arg2[%dma_wait3A_223] : memref<1392640xf32, #tpu.memory_space<hbm>> -> memref<1392640xf32, #tpu.memory_space<hbm>>
        tpu.wait_indirect_dma semaphore(%arg26 : memref<!tpu.dma_semaphore, #tpu.memory_space<semaphore_mem>>) src(%dma_wait3A_224 : memref<1392640xf32, #tpu.memory_space<hbm>>) dst(%arg19 : memref<4096xf32, #tpu.memory_space<vmem>>)
        %dma_wait3A_225 = arith.constant 0 : i32
        %dma_wait3A_226 = tpu.memref_slice %arg2[%dma_wait3A_225] : memref<1392640xf32, #tpu.memory_space<hbm>> -> memref<1392640xf32, #tpu.memory_space<hbm>>
        tpu.wait_indirect_dma semaphore(%arg26 : memref<!tpu.dma_semaphore, #tpu.memory_space<semaphore_mem>>) src(%dma_wait3A_226 : memref<1392640xf32, #tpu.memory_space<hbm>>) dst(%arg20 : memref<4096xf32, #tpu.memory_space<vmem>>)
        %scan3A_227 = arith.constant 0 : i32
        %scan3A_228 = arith.constant 256 : i32
        %scan3A_229 = arith.addi %scan3A_227, %scan3A_228 : i32
        %scan3A_230 = arith.constant 1 : i32
        scf.for %scan3A_232 = %scan3A_227 to %scan3A_229 step %scan3A_230  : i32 {
          %mul3A_233 = arith.constant 16 : i32
          %mul3A_234 = arith.muli %scan3A_232, %mul3A_233 : i32
          %mul3A_235 = arith.constant 16 : i32
          %mul3A_236 = arith.muli %scan3A_232, %mul3A_235 : i32
          %get3A = arith.index_cast %mul3A_236 : i32 to index
          %get3A_237 = tpu.vector_load %arg7[%get3A] {strides = array<i32>} : memref<4096xf32, #tpu.memory_space<vmem>>, vector<16xf32>,
          %get3A_238 = arith.index_cast %mul3A_236 : i32 to index
          %get3A_239 = tpu.vector_load %arg8[%get3A_238] {strides = array<i32>} : memref<4096xf32, #tpu.memory_space<vmem>>, vector<16xf32>,
          %and3A_240 = arith.constant 31 : i32
          %and3A_241 = arith.andi %scan3A_232, %and3A_240 : i32
          %mul3A_242 = arith.constant 16 : i32
          %mul3A_243 = arith.muli %and3A_241, %mul3A_242 : i32
          %add3A_244 = arith.constant 1 : i32
          %add3A_245 = arith.addi %mul3A_243, %add3A_244 : i32
          %convert_element_type3A_246 = arith.sitofp %add3A_245 : i32 to f32
          %mul3A_247 = arith.constant 8 : i32
          %mul3A_248 = arith.muli %mul3A_59, %mul3A_247 : i32
          %shift_right_arithmetic3A = arith.constant 5 : i32
          %shift_right_arithmetic3A_249 = arith.shrsi %scan3A_232, %shift_right_arithmetic3A : i32
          %add3A_250 = arith.addi %mul3A_248, %shift_right_arithmetic3A_249 : i32
          %add3A_251 = arith.constant 1 : i32
          %add3A_252 = arith.addi %add3A_250, %add3A_251 : i32
          %convert_element_type3A_253 = arith.sitofp %add3A_252 : i32 to f32
          %add3A_254 = arith.addf %get3A_237, %convert_element_type3A : vector<16xf32>
          %add3A_255 = vector.broadcast %convert_element_type3A_246 : f32 to vector<16xf32>
          %add3A_256 = arith.addf %add3A_254, %add3A_255 : vector<16xf32>
          %add3A_257 = vector.broadcast %convert_element_type3A_253 : f32 to vector<16xf32>
          %add3A_258 = arith.addf %get3A_239, %add3A_257 : vector<16xf32>
          %max3A = arith.constant 0.000000e+00 : f32
          %max3A_259 = vector.broadcast %max3A : f32 to vector<16xf32>
          %max3A_260 = arith.maximumf %add3A_256, %max3A_259 : vector<16xf32>
          %min3A_261 = arith.constant 5.130000e+02 : f32
          %min3A_262 = vector.broadcast %min3A_261 : f32 to vector<16xf32>
          %min3A_263 = arith.minimumf %max3A_260, %min3A_262 : vector<16xf32>
          %max3A_264 = arith.constant 0.000000e+00 : f32
          %max3A_265 = vector.broadcast %max3A_264 : f32 to vector<16xf32>
          %max3A_266 = arith.maximumf %add3A_258, %max3A_265 : vector<16xf32>
          %min3A_267 = arith.constant 5.130000e+02 : f32
          %min3A_268 = vector.broadcast %min3A_267 : f32 to vector<16xf32>
          %min3A_269 = arith.minimumf %max3A_266, %min3A_268 : vector<16xf32>
          %convert_element_type3A_270 = arith.fptosi %min3A_263 : vector<16xf32> to vector<16xi32>
          %convert_element_type3A_271 = arith.fptosi %min3A_269 : vector<16xf32> to vector<16xi32>
          %convert_element_type3A_272 = arith.sitofp %convert_element_type3A_270 : vector<16xi32> to vector<16xf32>
          %sub3A_273 = arith.subf %min3A_263, %convert_element_type3A_272 : vector<16xf32>
          %convert_element_type3A_274 = arith.sitofp %convert_element_type3A_271 : vector<16xi32> to vector<16xf32>
          %sub3A_275 = arith.subf %min3A_269, %convert_element_type3A_274 : vector<16xf32>
          %sub3A_276 = arith.constant 1.000000e+00 : f32
          %sub3A_277 = vector.broadcast %sub3A_276 : f32 to vector<16xf32>
          %sub3A_278 = arith.subf %sub3A_277, %sub3A_273 : vector<16xf32>
          %sub3A_279 = arith.constant 1.000000e+00 : f32
          %sub3A_280 = vector.broadcast %sub3A_279 : f32 to vector<16xf32>
          %sub3A_281 = arith.subf %sub3A_280, %sub3A_275 : vector<16xf32>
          %get3A_282 = arith.index_cast %mul3A_234 : i32 to index
          %get3A_283 = tpu.vector_load %arg17[%get3A_282] {strides = array<i32>} : memref<4096xf32, #tpu.memory_space<vmem>>, vector<16xf32>,
          %mul3A_284 = arith.mulf %get3A_283, %sub3A_278 : vector<16xf32>
          %get3A_285 = arith.index_cast %mul3A_234 : i32 to index
          %get3A_286 = tpu.vector_load %arg18[%get3A_285] {strides = array<i32>} : memref<4096xf32, #tpu.memory_space<vmem>>, vector<16xf32>,
          %mul3A_287 = arith.mulf %get3A_286, %sub3A_273 : vector<16xf32>
          %add3A_288 = arith.addf %mul3A_284, %mul3A_287 : vector<16xf32>
          %mul3A_289 = arith.mulf %sub3A_281, %add3A_288 : vector<16xf32>
          %get3A_290 = arith.index_cast %mul3A_234 : i32 to index
          %get3A_291 = tpu.vector_load %arg19[%get3A_290] {strides = array<i32>} : memref<4096xf32, #tpu.memory_space<vmem>>, vector<16xf32>,
          %mul3A_292 = arith.mulf %get3A_291, %sub3A_278 : vector<16xf32>
          %get3A_293 = arith.index_cast %mul3A_234 : i32 to index
          %get3A_294 = tpu.vector_load %arg20[%get3A_293] {strides = array<i32>} : memref<4096xf32, #tpu.memory_space<vmem>>, vector<16xf32>,
          %mul3A_295 = arith.mulf %get3A_294, %sub3A_273 : vector<16xf32>
          %add3A_296 = arith.addf %mul3A_292, %mul3A_295 : vector<16xf32>
          %mul3A_297 = arith.mulf %sub3A_275, %add3A_296 : vector<16xf32>
          %add3A_298 = arith.addf %mul3A_289, %mul3A_297 : vector<16xf32>
          %swap3A = arith.index_cast %mul3A_234 : i32 to index
          %swap3A_299 = tpu.vector_load %arg11[%swap3A] {strides = array<i32>} : memref<4096xf32, #tpu.memory_space<vmem>>, vector<16xf32>,
          tpu.vector_store %arg11[%swap3A], %add3A_298 {strides = array<i32>} : memref<4096xf32, #tpu.memory_space<vmem>>, vector<16xf32>,
        }
        %scan3A_231 = arith.constant 256 : i32
      } else {
      }
      %mul3A_123 = arith.constant 4096 : i32
      %mul3A_124 = arith.muli %mul3A_59, %mul3A_123 : i32
      %add3A_125 = arith.addi %mul3A_22, %mul3A_124 : i32
      %dma_start3A_126 = tpu.memref_slice %arg5[%add3A_125] : memref<8388608xf32, #tpu.memory_space<hbm>> -> memref<4096xf32, #tpu.memory_space<hbm>>
      %dma_start3A_127 = tpu.memref_slice %arg5[%add3A_125] : memref<8388608xf32, #tpu.memory_space<hbm>> -> memref<4096xf32, #tpu.memory_space<hbm>>
      tpu.enqueue_dma source(%arg11 : memref<4096xf32, #tpu.memory_space<vmem>>) target(%dma_start3A_127 : memref<4096xf32, #tpu.memory_space<hbm>>) target_semaphore(%arg23 : memref<!tpu.dma_semaphore, #tpu.memory_space<semaphore_mem>>)
      %mul3A_128 = arith.constant 2 : i32
      %mul3A_129 = arith.muli %mul3A_128, %scan3A_57 : i32
      %add3A_130 = arith.constant 1 : i32
      %add3A_131 = arith.addi %mul3A_129, %add3A_130 : i32
      %dma_wait3A_132 = tpu.memref_slice %arg3[%mul3A_20] : memref<8388608xf32, #tpu.memory_space<hbm>> -> memref<4096xf32, #tpu.memory_space<hbm>>
      %dma_wait3A_133 = tpu.memref_slice %arg3[%mul3A_20] : memref<8388608xf32, #tpu.memory_space<hbm>> -> memref<4096xf32, #tpu.memory_space<hbm>>
      tpu.wait_dma2 semaphore(%arg22 : memref<!tpu.dma_semaphore, #tpu.memory_space<semaphore_mem>>) src(%dma_wait3A_133 : memref<4096xf32, #tpu.memory_space<hbm>>) dst(%arg9 : memref<4096xf32, #tpu.memory_space<vmem>>)
      %dma_wait3A_134 = tpu.memref_slice %arg4[%mul3A_20] : memref<8388608xf32, #tpu.memory_space<hbm>> -> memref<4096xf32, #tpu.memory_space<hbm>>
      %dma_wait3A_135 = tpu.memref_slice %arg4[%mul3A_20] : memref<8388608xf32, #tpu.memory_space<hbm>> -> memref<4096xf32, #tpu.memory_space<hbm>>
      tpu.wait_dma2 semaphore(%arg22 : memref<!tpu.dma_semaphore, #tpu.memory_space<semaphore_mem>>) src(%dma_wait3A_135 : memref<4096xf32, #tpu.memory_space<hbm>>) dst(%arg10 : memref<4096xf32, #tpu.memory_space<vmem>>)
      %add3A_136 = arith.constant 1 : i32
      %add3A_137 = arith.addi %add3A_131, %add3A_136 : i32
      %min3A_138 = arith.constant 63 : i32
      %min3A_139 = arith.minsi %add3A_137, %min3A_138 : i32
      %mul3A_140 = arith.constant 4096 : i32
      %mul3A_141 = arith.muli %min3A_139, %mul3A_140 : i32
      %add3A_142 = arith.addi %mul3A_20, %mul3A_141 : i32
      %dma_start3A_143 = tpu.memref_slice %arg3[%add3A_142] : memref<8388608xf32, #tpu.memory_space<hbm>> -> memref<4096xf32, #tpu.memory_space<hbm>>
      %dma_start3A_144 = tpu.memref_slice %arg3[%add3A_142] : memref<8388608xf32, #tpu.memory_space<hbm>> -> memref<4096xf32, #tpu.memory_space<hbm>>
      tpu.enqueue_dma source(%dma_start3A_144 : memref<4096xf32, #tpu.memory_space<hbm>>) target(%arg7 : memref<4096xf32, #tpu.memory_space<vmem>>) target_semaphore(%arg21 : memref<!tpu.dma_semaphore, #tpu.memory_space<semaphore_mem>>)
      %mul3A_145 = arith.constant 4096 : i32
      %mul3A_146 = arith.muli %min3A_139, %mul3A_145 : i32
      %add3A_147 = arith.addi %mul3A_20, %mul3A_146 : i32
      %dma_start3A_148 = tpu.memref_slice %arg4[%add3A_147] : memref<8388608xf32, #tpu.memory_space<hbm>> -> memref<4096xf32, #tpu.memory_space<hbm>>
      %dma_start3A_149 = tpu.memref_slice %arg4[%add3A_147] : memref<8388608xf32, #tpu.memory_space<hbm>> -> memref<4096xf32, #tpu.memory_space<hbm>>
      tpu.enqueue_dma source(%dma_start3A_149 : memref<4096xf32, #tpu.memory_space<hbm>>) target(%arg8 : memref<4096xf32, #tpu.memory_space<vmem>>) target_semaphore(%arg21 : memref<!tpu.dma_semaphore, #tpu.memory_space<semaphore_mem>>)
      %dma_wait3A_150 = arith.constant 0 : i32
      %dma_wait3A_151 = tpu.memref_slice %arg6[%dma_wait3A_150] : memref<40976xf32, #tpu.memory_space<vmem>> -> memref<5120xf32, #tpu.memory_space<vmem>>
      %dma_wait3A_152 = tpu.memref_slice %arg2[%mul3A_18] : memref<1392640xf32, #tpu.memory_space<hbm>> -> memref<5120xf32, #tpu.memory_space<hbm>>
      %dma_wait3A_153 = arith.constant 0 : i32
      %dma_wait3A_154 = tpu.memref_slice %arg6[%dma_wait3A_153] : memref<40976xf32, #tpu.memory_space<vmem>> -> memref<5120xf32, #tpu.memory_space<vmem>>
      %dma_wait3A_155 = tpu.memref_slice %arg2[%mul3A_18] : memref<1392640xf32, #tpu.memory_space<hbm>> -> memref<5120xf32, #tpu.memory_space<hbm>>
      tpu.wait_dma2 semaphore(%arg25 : memref<!tpu.dma_semaphore, #tpu.memory_space<semaphore_mem>>) src(%dma_wait3A_155 : memref<5120xf32, #tpu.memory_space<hbm>>) dst(%dma_wait3A_154 : memref<5120xf32, #tpu.memory_space<vmem>>)
      %add3A_156 = arith.constant 4 : i32
      %add3A_157 = arith.addi %add3A_131, %add3A_156 : i32
      %and3A_158 = arith.constant 7 : i32
      %and3A_159 = arith.andi %add3A_157, %and3A_158 : i32
      %mul3A_160 = arith.constant 5120 : i32
      %mul3A_161 = arith.muli %add3A_157, %mul3A_160 : i32
      %add3A_162 = arith.addi %mul3A_18, %mul3A_161 : i32
      %mul3A_163 = arith.constant 5120 : i32
      %mul3A_164 = arith.muli %and3A_159, %mul3A_163 : i32
      %dma_start3A_165 = tpu.memref_slice %arg6[%mul3A_164] : memref<40976xf32, #tpu.memory_space<vmem>> -> memref<5120xf32, #tpu.memory_space<vmem>>
      %dma_start3A_166 = tpu.memref_slice %arg2[%add3A_162] : memref<1392640xf32, #tpu.memory_space<hbm>> -> memref<5120xf32, #tpu.memory_space<hbm>>
      %dma_start3A_167 = tpu.memref_slice %arg6[%mul3A_164] : memref<40976xf32, #tpu.memory_space<vmem>> -> memref<5120xf32, #tpu.memory_space<vmem>>
      %dma_start3A_168 = tpu.memref_slice %arg2[%add3A_162] : memref<1392640xf32, #tpu.memory_space<hbm>> -> memref<5120xf32, #tpu.memory_space<hbm>>
      tpu.enqueue_dma source(%dma_start3A_168 : memref<5120xf32, #tpu.memory_space<hbm>>) target(%dma_start3A_167 : memref<5120xf32, #tpu.memory_space<vmem>>) target_semaphore(%arg25 : memref<!tpu.dma_semaphore, #tpu.memory_space<semaphore_mem>>)
      %mul3A_169 = arith.constant 8 : i32
      %mul3A_170 = arith.muli %add3A_131, %mul3A_169 : i32
      %sub3A_171 = arith.constant 24 : i32
      %sub3A_172 = arith.subi %mul3A_170, %sub3A_171 : i32
      %mul3A_173 = arith.constant 8 : i32
      %mul3A_174 = arith.muli %add3A_131, %mul3A_173 : i32
      %add3A_175 = arith.constant 31 : i32
      %add3A_176 = arith.addi %mul3A_174, %add3A_175 : i32
      %ge3A_177 = arith.constant 2 : i32
      %ge3A_178 = arith.cmpi sge, %add3A_131, %ge3A_177 : i32
      %convert_element_type3A_179 = arith.extui %ge3A_178 : i1 to i32
      %cond3A_180 = arith.constant 0 : i32
      %cond3A_181 = arith.cmpi ne, %convert_element_type3A_179, %cond3A_180 : i32
      scf.if %cond3A_181 {
        %dma_wait3A_206 = tpu.memref_slice %arg5[%mul3A_22] : memref<8388608xf32, #tpu.memory_space<hbm>> -> memref<4096xf32, #tpu.memory_space<hbm>>
        %dma_wait3A_207 = tpu.memref_slice %arg5[%mul3A_22] : memref<8388608xf32, #tpu.memory_space<hbm>> -> memref<4096xf32, #tpu.memory_space<hbm>>
        tpu.wait_dma2 semaphore(%arg24 : memref<!tpu.dma_semaphore, #tpu.memory_space<semaphore_mem>>) src(%arg12 : memref<4096xf32, #tpu.memory_space<vmem>>) dst(%dma_wait3A_207 : memref<4096xf32, #tpu.memory_space<hbm>>)
      } else {
      }
      %broadcast_in_dim3A_182 = arith.constant 0 : i32
      %broadcast_in_dim3A_183 = vector.broadcast %broadcast_in_dim3A_182 : i32 to vector<16xi32>
      %parallel_loop3A_184 = arith.constant 0 : i32
      %parallel_loop3A_185 = arith.constant 256 : i32
      %parallel_loop3A_186 = arith.constant 1 : i32
      %parallel_loop3A_187 = scf.for %parallel_loop3A_206 = %parallel_loop3A_184 to %parallel_loop3A_185 step %parallel_loop3A_186 iter_args(%parallel_loop3A_207 = %broadcast_in_dim3A_183) -> (vector<16xi32>)  : i32 {
        %parallel_loop3A_208 = arith.constant 16 : i32
        %parallel_loop3A_209 = arith.muli %parallel_loop3A_206, %parallel_loop3A_208 : i32
        %parallel_loop3A_210 = arith.constant 16 : i32
        %parallel_loop3A_211 = arith.muli %parallel_loop3A_206, %parallel_loop3A_210 : i32
        %parallel_loop3A_212 = arith.index_cast %parallel_loop3A_211 : i32 to index
        %parallel_loop3A_213 = tpu.vector_load %arg9[%parallel_loop3A_212] {strides = array<i32>} : memref<4096xf32, #tpu.memory_space<vmem>>, vector<16xf32>,
        %parallel_loop3A_214 = arith.index_cast %parallel_loop3A_211 : i32 to index
        %parallel_loop3A_215 = tpu.vector_load %arg10[%parallel_loop3A_214] {strides = array<i32>} : memref<4096xf32, #tpu.memory_space<vmem>>, vector<16xf32>,
        %parallel_loop3A_216 = arith.constant 31 : i32
        %parallel_loop3A_217 = arith.andi %parallel_loop3A_206, %parallel_loop3A_216 : i32
        %parallel_loop3A_218 = arith.constant 16 : i32
        %parallel_loop3A_219 = arith.muli %parallel_loop3A_217, %parallel_loop3A_218 : i32
        %parallel_loop3A_220 = arith.constant 1 : i32
        %parallel_loop3A_221 = arith.addi %parallel_loop3A_219, %parallel_loop3A_220 : i32
        %parallel_loop3A_222 = arith.sitofp %parallel_loop3A_221 : i32 to f32
        %parallel_loop3A_223 = arith.constant 8 : i32
        %parallel_loop3A_224 = arith.muli %add3A_131, %parallel_loop3A_223 : i32
        %parallel_loop3A_225 = arith.constant 5 : i32
        %parallel_loop3A_226 = arith.shrsi %parallel_loop3A_206, %parallel_loop3A_225 : i32
        %parallel_loop3A_227 = arith.addi %parallel_loop3A_224, %parallel_loop3A_226 : i32
        %parallel_loop3A_228 = arith.constant 1 : i32
        %parallel_loop3A_229 = arith.addi %parallel_loop3A_227, %parallel_loop3A_228 : i32
        %parallel_loop3A_230 = arith.sitofp %parallel_loop3A_229 : i32 to f32
        %parallel_loop3A_231 = arith.addf %parallel_loop3A_213, %convert_element_type3A : vector<16xf32>
        %parallel_loop3A_232 = vector.broadcast %parallel_loop3A_222 : f32 to vector<16xf32>
        %parallel_loop3A_233 = arith.addf %parallel_loop3A_231, %parallel_loop3A_232 : vector<16xf32>
        %parallel_loop3A_234 = vector.broadcast %parallel_loop3A_230 : f32 to vector<16xf32>
        %parallel_loop3A_235 = arith.addf %parallel_loop3A_215, %parallel_loop3A_234 : vector<16xf32>
        %parallel_loop3A_236 = arith.constant 0.000000e+00 : f32
        %parallel_loop3A_237 = vector.broadcast %parallel_loop3A_236 : f32 to vector<16xf32>
        %parallel_loop3A_238 = arith.maximumf %parallel_loop3A_233, %parallel_loop3A_237 : vector<16xf32>
        %parallel_loop3A_239 = arith.constant 5.130000e+02 : f32
        %parallel_loop3A_240 = vector.broadcast %parallel_loop3A_239 : f32 to vector<16xf32>
        %parallel_loop3A_241 = arith.minimumf %parallel_loop3A_238, %parallel_loop3A_240 : vector<16xf32>
        %parallel_loop3A_242 = arith.constant 0.000000e+00 : f32
        %parallel_loop3A_243 = vector.broadcast %parallel_loop3A_242 : f32 to vector<16xf32>
        %parallel_loop3A_244 = arith.maximumf %parallel_loop3A_235, %parallel_loop3A_243 : vector<16xf32>
        %parallel_loop3A_245 = arith.constant 5.130000e+02 : f32
        %parallel_loop3A_246 = vector.broadcast %parallel_loop3A_245 : f32 to vector<16xf32>
        %parallel_loop3A_247 = arith.minimumf %parallel_loop3A_244, %parallel_loop3A_246 : vector<16xf32>
        %parallel_loop3A_248 = arith.fptosi %parallel_loop3A_241 : vector<16xf32> to vector<16xi32>
        %parallel_loop3A_249 = arith.fptosi %parallel_loop3A_247 : vector<16xf32> to vector<16xi32>
        %parallel_loop3A_250 = arith.sitofp %parallel_loop3A_248 : vector<16xi32> to vector<16xf32>
        %parallel_loop3A_251 = arith.subf %parallel_loop3A_241, %parallel_loop3A_250 : vector<16xf32>
        %parallel_loop3A_252 = arith.sitofp %parallel_loop3A_249 : vector<16xi32> to vector<16xf32>
        %parallel_loop3A_253 = arith.subf %parallel_loop3A_247, %parallel_loop3A_252 : vector<16xf32>
        %parallel_loop3A_254 = arith.constant 1 : i32
        %parallel_loop3A_255 = vector.broadcast %parallel_loop3A_254 : i32 to vector<16xi32>
        %parallel_loop3A_256 = arith.addi %parallel_loop3A_249, %parallel_loop3A_255 : vector<16xi32>
        %parallel_loop3A_257 = arith.constant 1 : i32
        %parallel_loop3A_258 = vector.broadcast %parallel_loop3A_257 : i32 to vector<16xi32>
        %parallel_loop3A_259 = arith.addi %parallel_loop3A_248, %parallel_loop3A_258 : vector<16xi32>
        %parallel_loop3A_260 = vector.broadcast %sub3A_172 : i32 to vector<16xi32>
        %parallel_loop3A_261 = arith.cmpi sge, %parallel_loop3A_249, %parallel_loop3A_260 : vector<16xi32>
        %parallel_loop3A_262 = vector.broadcast %add3A_176 : i32 to vector<16xi32>
        %parallel_loop3A_263 = arith.cmpi slt, %parallel_loop3A_249, %parallel_loop3A_262 : vector<16xi32>
        %parallel_loop3A_264 = arith.andi %parallel_loop3A_261, %parallel_loop3A_263 : vector<16xi1>
        %parallel_loop3A_265 = arith.constant dense<true> : vector<16xi1>
        %parallel_loop3A_266 = arith.xori %parallel_loop3A_264, %parallel_loop3A_265 : vector<16xi1>
        %parallel_loop3A_267 = arith.constant 63 : i32
        %parallel_loop3A_268 = vector.broadcast %parallel_loop3A_267 : i32 to vector<16xi32>
        %parallel_loop3A_269 = arith.andi %parallel_loop3A_249, %parallel_loop3A_268 : vector<16xi32>
        %parallel_loop3A_270 = arith.constant 640 : i32
        %parallel_loop3A_271 = vector.broadcast %parallel_loop3A_270 : i32 to vector<16xi32>
        %parallel_loop3A_272 = arith.muli %parallel_loop3A_269, %parallel_loop3A_271 : vector<16xi32>
        %parallel_loop3A_273 = arith.constant 63 : i32
        %parallel_loop3A_274 = vector.broadcast %parallel_loop3A_273 : i32 to vector<16xi32>
        %parallel_loop3A_275 = arith.andi %parallel_loop3A_256, %parallel_loop3A_274 : vector<16xi32>
        %parallel_loop3A_276 = arith.constant 640 : i32
        %parallel_loop3A_277 = vector.broadcast %parallel_loop3A_276 : i32 to vector<16xi32>
        %parallel_loop3A_278 = arith.muli %parallel_loop3A_275, %parallel_loop3A_277 : vector<16xi32>
        %parallel_loop3A_279 = arith.addi %parallel_loop3A_272, %parallel_loop3A_248 : vector<16xi32>
        %parallel_loop3A_280 = tpu.vector_load_idx %arg6[%parallel_loop3A_279] : memref<40976xf32, #tpu.memory_space<vmem>>[vector<16xi32>], vector<16xf32>,
        %parallel_loop3A_281 = arith.addi %parallel_loop3A_272, %parallel_loop3A_259 : vector<16xi32>
        %parallel_loop3A_282 = tpu.vector_load_idx %arg6[%parallel_loop3A_281] : memref<40976xf32, #tpu.memory_space<vmem>>[vector<16xi32>], vector<16xf32>,
        %parallel_loop3A_283 = arith.addi %parallel_loop3A_278, %parallel_loop3A_248 : vector<16xi32>
        %parallel_loop3A_284 = tpu.vector_load_idx %arg6[%parallel_loop3A_283] : memref<40976xf32, #tpu.memory_space<vmem>>[vector<16xi32>], vector<16xf32>,
        %parallel_loop3A_285 = arith.addi %parallel_loop3A_278, %parallel_loop3A_259 : vector<16xi32>
        %parallel_loop3A_286 = tpu.vector_load_idx %arg6[%parallel_loop3A_285] : memref<40976xf32, #tpu.memory_space<vmem>>[vector<16xi32>], vector<16xf32>,
        %parallel_loop3A_287 = arith.constant 1.000000e+00 : f32
        %parallel_loop3A_288 = vector.broadcast %parallel_loop3A_287 : f32 to vector<16xf32>
        %parallel_loop3A_289 = arith.subf %parallel_loop3A_288, %parallel_loop3A_251 : vector<16xf32>
        %parallel_loop3A_290 = arith.constant 1.000000e+00 : f32
        %parallel_loop3A_291 = vector.broadcast %parallel_loop3A_290 : f32 to vector<16xf32>
        %parallel_loop3A_292 = arith.subf %parallel_loop3A_291, %parallel_loop3A_253 : vector<16xf32>
        %parallel_loop3A_293 = arith.mulf %parallel_loop3A_280, %parallel_loop3A_289 : vector<16xf32>
        %parallel_loop3A_294 = arith.mulf %parallel_loop3A_282, %parallel_loop3A_251 : vector<16xf32>
        %parallel_loop3A_295 = arith.addf %parallel_loop3A_293, %parallel_loop3A_294 : vector<16xf32>
        %parallel_loop3A_296 = arith.mulf %parallel_loop3A_292, %parallel_loop3A_295 : vector<16xf32>
        %parallel_loop3A_297 = arith.mulf %parallel_loop3A_284, %parallel_loop3A_289 : vector<16xf32>
        %parallel_loop3A_298 = arith.mulf %parallel_loop3A_286, %parallel_loop3A_251 : vector<16xf32>
        %parallel_loop3A_299 = arith.addf %parallel_loop3A_297, %parallel_loop3A_298 : vector<16xf32>
        %parallel_loop3A_300 = arith.mulf %parallel_loop3A_253, %parallel_loop3A_299 : vector<16xf32>
        %parallel_loop3A_301 = arith.addf %parallel_loop3A_296, %parallel_loop3A_300 : vector<16xf32>
        %parallel_loop3A_302 = arith.index_cast %parallel_loop3A_209 : i32 to index
        %parallel_loop3A_303 = tpu.vector_load %arg12[%parallel_loop3A_302] {strides = array<i32>} : memref<4096xf32, #tpu.memory_space<vmem>>, vector<16xf32>,
        tpu.vector_store %arg12[%parallel_loop3A_302], %parallel_loop3A_301 {strides = array<i32>} : memref<4096xf32, #tpu.memory_space<vmem>>, vector<16xf32>,
        %parallel_loop3A_304 = arith.extui %parallel_loop3A_266 : vector<16xi1> to vector<16xi32>
        %parallel_loop3A_305 = arith.ori %parallel_loop3A_207, %parallel_loop3A_304 : vector<16xi32>
        scf.yield %parallel_loop3A_305 : vector<16xi32>
      } {sc.loop_unroll_factor = 4 : i64, sc.parallel_access}
      %reduce_max3A_188 = arith.constant true
      %reduce_max3A_189 = vector.broadcast %reduce_max3A_188 : i1 to vector<16xi1>
      %reduce_max3A_190 = arith.constant -2147483648 : i32
      %reduce_max3A_191 = vector.broadcast %reduce_max3A_190 : i32 to vector<16xi32>
      %reduce_max3A_192 = arith.xori %parallel_loop3A_187, %reduce_max3A_191 : vector<16xi32>
      %reduce_max3A_193 = tpu.scan <max>, %reduce_max3A_192 masked %reduce_max3A_189 : vector<16xi32>, vector<16xi1> -> vector<16xi32>
      %reduce_max3A_194 = arith.xori %reduce_max3A_193, %reduce_max3A_191 : vector<16xi32>
      %reduce_max3A_195 = vector.extract %reduce_max3A_194[15] : i32 from vector<16xi32>
      %gt3A_196 = arith.constant 0 : i32
      %gt3A_197 = arith.cmpi sgt, %reduce_max3A_195, %gt3A_196 : i32
      %convert_element_type3A_198 = arith.extui %gt3A_197 : i1 to i32
      %cond3A_199 = arith.constant 0 : i32
      %cond3A_200 = arith.cmpi ne, %convert_element_type3A_198, %cond3A_199 : i32
      scf.if %cond3A_200 {
        %scan3A_206 = arith.constant 0 : i32
        %scan3A_207 = arith.constant 256 : i32
        %scan3A_208 = arith.addi %scan3A_206, %scan3A_207 : i32
        %scan3A_209 = arith.constant 1 : i32
        scf.for %scan3A_232 = %scan3A_206 to %scan3A_208 step %scan3A_209  : i32 {
          %mul3A_233 = arith.constant 16 : i32
          %mul3A_234 = arith.muli %scan3A_232, %mul3A_233 : i32
          %mul3A_235 = arith.constant 16 : i32
          %mul3A_236 = arith.muli %scan3A_232, %mul3A_235 : i32
          %get3A = arith.index_cast %mul3A_236 : i32 to index
          %get3A_237 = tpu.vector_load %arg9[%get3A] {strides = array<i32>} : memref<4096xf32, #tpu.memory_space<vmem>>, vector<16xf32>,
          %get3A_238 = arith.index_cast %mul3A_236 : i32 to index
          %get3A_239 = tpu.vector_load %arg10[%get3A_238] {strides = array<i32>} : memref<4096xf32, #tpu.memory_space<vmem>>, vector<16xf32>,
          %and3A_240 = arith.constant 31 : i32
          %and3A_241 = arith.andi %scan3A_232, %and3A_240 : i32
          %mul3A_242 = arith.constant 16 : i32
          %mul3A_243 = arith.muli %and3A_241, %mul3A_242 : i32
          %add3A_244 = arith.constant 1 : i32
          %add3A_245 = arith.addi %mul3A_243, %add3A_244 : i32
          %convert_element_type3A_246 = arith.sitofp %add3A_245 : i32 to f32
          %mul3A_247 = arith.constant 8 : i32
          %mul3A_248 = arith.muli %add3A_131, %mul3A_247 : i32
          %shift_right_arithmetic3A = arith.constant 5 : i32
          %shift_right_arithmetic3A_249 = arith.shrsi %scan3A_232, %shift_right_arithmetic3A : i32
          %add3A_250 = arith.addi %mul3A_248, %shift_right_arithmetic3A_249 : i32
          %add3A_251 = arith.constant 1 : i32
          %add3A_252 = arith.addi %add3A_250, %add3A_251 : i32
          %convert_element_type3A_253 = arith.sitofp %add3A_252 : i32 to f32
          %add3A_254 = arith.addf %get3A_237, %convert_element_type3A : vector<16xf32>
          %add3A_255 = vector.broadcast %convert_element_type3A_246 : f32 to vector<16xf32>
          %add3A_256 = arith.addf %add3A_254, %add3A_255 : vector<16xf32>
          %add3A_257 = vector.broadcast %convert_element_type3A_253 : f32 to vector<16xf32>
          %add3A_258 = arith.addf %get3A_239, %add3A_257 : vector<16xf32>
          %max3A = arith.constant 0.000000e+00 : f32
          %max3A_259 = vector.broadcast %max3A : f32 to vector<16xf32>
          %max3A_260 = arith.maximumf %add3A_256, %max3A_259 : vector<16xf32>
          %min3A_261 = arith.constant 5.130000e+02 : f32
          %min3A_262 = vector.broadcast %min3A_261 : f32 to vector<16xf32>
          %min3A_263 = arith.minimumf %max3A_260, %min3A_262 : vector<16xf32>
          %max3A_264 = arith.constant 0.000000e+00 : f32
          %max3A_265 = vector.broadcast %max3A_264 : f32 to vector<16xf32>
          %max3A_266 = arith.maximumf %add3A_258, %max3A_265 : vector<16xf32>
          %min3A_267 = arith.constant 5.130000e+02 : f32
          %min3A_268 = vector.broadcast %min3A_267 : f32 to vector<16xf32>
          %min3A_269 = arith.minimumf %max3A_266, %min3A_268 : vector<16xf32>
          %convert_element_type3A_270 = arith.fptosi %min3A_263 : vector<16xf32> to vector<16xi32>
          %convert_element_type3A_271 = arith.fptosi %min3A_269 : vector<16xf32> to vector<16xi32>
          %convert_element_type3A_272 = arith.sitofp %convert_element_type3A_270 : vector<16xi32> to vector<16xf32>
          %sub3A_273 = arith.subf %min3A_263, %convert_element_type3A_272 : vector<16xf32>
          %convert_element_type3A_274 = arith.sitofp %convert_element_type3A_271 : vector<16xi32> to vector<16xf32>
          %sub3A_275 = arith.subf %min3A_269, %convert_element_type3A_274 : vector<16xf32>
          %mul3A_276 = arith.constant 640 : i32
          %mul3A_277 = vector.broadcast %mul3A_276 : i32 to vector<16xi32>
          %mul3A_278 = arith.muli %convert_element_type3A_271, %mul3A_277 : vector<16xi32>
          %add3A_279 = vector.broadcast %mul3A_18 : i32 to vector<16xi32>
          %add3A_280 = arith.addi %mul3A_278, %add3A_279 : vector<16xi32>
          %add3A_281 = arith.constant 640 : i32
          %add3A_282 = vector.broadcast %add3A_281 : i32 to vector<16xi32>
          %add3A_283 = arith.addi %add3A_280, %add3A_282 : vector<16xi32>
          %add3A_284 = arith.addi %add3A_280, %convert_element_type3A_270 : vector<16xi32>
          %swap3A = arith.index_cast %mul3A_234 : i32 to index
          %swap3A_285 = tpu.vector_load %arg13[%swap3A] {strides = array<i32>} : memref<4096xi32, #tpu.memory_space<vmem>>, vector<16xi32>,
          tpu.vector_store %arg13[%swap3A], %add3A_284 {strides = array<i32>} : memref<4096xi32, #tpu.memory_space<vmem>>, vector<16xi32>,
          %add3A_286 = arith.addi %add3A_280, %convert_element_type3A_270 : vector<16xi32>
          %add3A_287 = arith.constant 1 : i32
          %add3A_288 = vector.broadcast %add3A_287 : i32 to vector<16xi32>
          %add3A_289 = arith.addi %add3A_286, %add3A_288 : vector<16xi32>
          %swap3A_290 = arith.index_cast %mul3A_234 : i32 to index
          %swap3A_291 = tpu.vector_load %arg14[%swap3A_290] {strides = array<i32>} : memref<4096xi32, #tpu.memory_space<vmem>>, vector<16xi32>,
          tpu.vector_store %arg14[%swap3A_290], %add3A_289 {strides = array<i32>} : memref<4096xi32, #tpu.memory_space<vmem>>, vector<16xi32>,
          %add3A_292 = arith.addi %add3A_283, %convert_element_type3A_270 : vector<16xi32>
          %swap3A_293 = arith.index_cast %mul3A_234 : i32 to index
          %swap3A_294 = tpu.vector_load %arg15[%swap3A_293] {strides = array<i32>} : memref<4096xi32, #tpu.memory_space<vmem>>, vector<16xi32>,
          tpu.vector_store %arg15[%swap3A_293], %add3A_292 {strides = array<i32>} : memref<4096xi32, #tpu.memory_space<vmem>>, vector<16xi32>,
          %add3A_295 = arith.addi %add3A_283, %convert_element_type3A_270 : vector<16xi32>
          %add3A_296 = arith.constant 1 : i32
          %add3A_297 = vector.broadcast %add3A_296 : i32 to vector<16xi32>
          %add3A_298 = arith.addi %add3A_295, %add3A_297 : vector<16xi32>
          %swap3A_299 = arith.index_cast %mul3A_234 : i32 to index
          %swap3A_300 = tpu.vector_load %arg16[%swap3A_299] {strides = array<i32>} : memref<4096xi32, #tpu.memory_space<vmem>>, vector<16xi32>,
          tpu.vector_store %arg16[%swap3A_299], %add3A_298 {strides = array<i32>} : memref<4096xi32, #tpu.memory_space<vmem>>, vector<16xi32>,
        }
        %scan3A_210 = arith.constant 256 : i32
        %dma_start3A_211 = arith.constant 0 : i32
        %dma_start3A_212 = tpu.memref_slice %arg2[%dma_start3A_211] : memref<1392640xf32, #tpu.memory_space<hbm>> -> memref<1392640xf32, #tpu.memory_space<hbm>>
        tpu.enqueue_indirect_dma source(%dma_start3A_212 : memref<1392640xf32, #tpu.memory_space<hbm>>) target(%arg17 : memref<4096xf32, #tpu.memory_space<vmem>>) offsets(%arg13 : memref<4096xi32, #tpu.memory_space<vmem>>) semaphore(%arg26 : memref<!tpu.dma_semaphore, #tpu.memory_space<semaphore_mem>>)
        %dma_start3A_213 = arith.constant 0 : i32
        %dma_start3A_214 = tpu.memref_slice %arg2[%dma_start3A_213] : memref<1392640xf32, #tpu.memory_space<hbm>> -> memref<1392640xf32, #tpu.memory_space<hbm>>
        tpu.enqueue_indirect_dma source(%dma_start3A_214 : memref<1392640xf32, #tpu.memory_space<hbm>>) target(%arg18 : memref<4096xf32, #tpu.memory_space<vmem>>) offsets(%arg14 : memref<4096xi32, #tpu.memory_space<vmem>>) semaphore(%arg26 : memref<!tpu.dma_semaphore, #tpu.memory_space<semaphore_mem>>)
        %dma_start3A_215 = arith.constant 0 : i32
        %dma_start3A_216 = tpu.memref_slice %arg2[%dma_start3A_215] : memref<1392640xf32, #tpu.memory_space<hbm>> -> memref<1392640xf32, #tpu.memory_space<hbm>>
        tpu.enqueue_indirect_dma source(%dma_start3A_216 : memref<1392640xf32, #tpu.memory_space<hbm>>) target(%arg19 : memref<4096xf32, #tpu.memory_space<vmem>>) offsets(%arg15 : memref<4096xi32, #tpu.memory_space<vmem>>) semaphore(%arg26 : memref<!tpu.dma_semaphore, #tpu.memory_space<semaphore_mem>>)
        %dma_start3A_217 = arith.constant 0 : i32
        %dma_start3A_218 = tpu.memref_slice %arg2[%dma_start3A_217] : memref<1392640xf32, #tpu.memory_space<hbm>> -> memref<1392640xf32, #tpu.memory_space<hbm>>
        tpu.enqueue_indirect_dma source(%dma_start3A_218 : memref<1392640xf32, #tpu.memory_space<hbm>>) target(%arg20 : memref<4096xf32, #tpu.memory_space<vmem>>) offsets(%arg16 : memref<4096xi32, #tpu.memory_space<vmem>>) semaphore(%arg26 : memref<!tpu.dma_semaphore, #tpu.memory_space<semaphore_mem>>)
        %dma_wait3A_219 = arith.constant 0 : i32
        %dma_wait3A_220 = tpu.memref_slice %arg2[%dma_wait3A_219] : memref<1392640xf32, #tpu.memory_space<hbm>> -> memref<1392640xf32, #tpu.memory_space<hbm>>
        tpu.wait_indirect_dma semaphore(%arg26 : memref<!tpu.dma_semaphore, #tpu.memory_space<semaphore_mem>>) src(%dma_wait3A_220 : memref<1392640xf32, #tpu.memory_space<hbm>>) dst(%arg17 : memref<4096xf32, #tpu.memory_space<vmem>>)
        %dma_wait3A_221 = arith.constant 0 : i32
        %dma_wait3A_222 = tpu.memref_slice %arg2[%dma_wait3A_221] : memref<1392640xf32, #tpu.memory_space<hbm>> -> memref<1392640xf32, #tpu.memory_space<hbm>>
        tpu.wait_indirect_dma semaphore(%arg26 : memref<!tpu.dma_semaphore, #tpu.memory_space<semaphore_mem>>) src(%dma_wait3A_222 : memref<1392640xf32, #tpu.memory_space<hbm>>) dst(%arg18 : memref<4096xf32, #tpu.memory_space<vmem>>)
        %dma_wait3A_223 = arith.constant 0 : i32
        %dma_wait3A_224 = tpu.memref_slice %arg2[%dma_wait3A_223] : memref<1392640xf32, #tpu.memory_space<hbm>> -> memref<1392640xf32, #tpu.memory_space<hbm>>
        tpu.wait_indirect_dma semaphore(%arg26 : memref<!tpu.dma_semaphore, #tpu.memory_space<semaphore_mem>>) src(%dma_wait3A_224 : memref<1392640xf32, #tpu.memory_space<hbm>>) dst(%arg19 : memref<4096xf32, #tpu.memory_space<vmem>>)
        %dma_wait3A_225 = arith.constant 0 : i32
        %dma_wait3A_226 = tpu.memref_slice %arg2[%dma_wait3A_225] : memref<1392640xf32, #tpu.memory_space<hbm>> -> memref<1392640xf32, #tpu.memory_space<hbm>>
        tpu.wait_indirect_dma semaphore(%arg26 : memref<!tpu.dma_semaphore, #tpu.memory_space<semaphore_mem>>) src(%dma_wait3A_226 : memref<1392640xf32, #tpu.memory_space<hbm>>) dst(%arg20 : memref<4096xf32, #tpu.memory_space<vmem>>)
        %scan3A_227 = arith.constant 0 : i32
        %scan3A_228 = arith.constant 256 : i32
        %scan3A_229 = arith.addi %scan3A_227, %scan3A_228 : i32
        %scan3A_230 = arith.constant 1 : i32
        scf.for %scan3A_232 = %scan3A_227 to %scan3A_229 step %scan3A_230  : i32 {
          %mul3A_233 = arith.constant 16 : i32
          %mul3A_234 = arith.muli %scan3A_232, %mul3A_233 : i32
          %mul3A_235 = arith.constant 16 : i32
          %mul3A_236 = arith.muli %scan3A_232, %mul3A_235 : i32
          %get3A = arith.index_cast %mul3A_236 : i32 to index
          %get3A_237 = tpu.vector_load %arg9[%get3A] {strides = array<i32>} : memref<4096xf32, #tpu.memory_space<vmem>>, vector<16xf32>,
          %get3A_238 = arith.index_cast %mul3A_236 : i32 to index
          %get3A_239 = tpu.vector_load %arg10[%get3A_238] {strides = array<i32>} : memref<4096xf32, #tpu.memory_space<vmem>>, vector<16xf32>,
          %and3A_240 = arith.constant 31 : i32
          %and3A_241 = arith.andi %scan3A_232, %and3A_240 : i32
          %mul3A_242 = arith.constant 16 : i32
          %mul3A_243 = arith.muli %and3A_241, %mul3A_242 : i32
          %add3A_244 = arith.constant 1 : i32
          %add3A_245 = arith.addi %mul3A_243, %add3A_244 : i32
          %convert_element_type3A_246 = arith.sitofp %add3A_245 : i32 to f32
          %mul3A_247 = arith.constant 8 : i32
          %mul3A_248 = arith.muli %add3A_131, %mul3A_247 : i32
          %shift_right_arithmetic3A = arith.constant 5 : i32
          %shift_right_arithmetic3A_249 = arith.shrsi %scan3A_232, %shift_right_arithmetic3A : i32
          %add3A_250 = arith.addi %mul3A_248, %shift_right_arithmetic3A_249 : i32
          %add3A_251 = arith.constant 1 : i32
          %add3A_252 = arith.addi %add3A_250, %add3A_251 : i32
          %convert_element_type3A_253 = arith.sitofp %add3A_252 : i32 to f32
          %add3A_254 = arith.addf %get3A_237, %convert_element_type3A : vector<16xf32>
          %add3A_255 = vector.broadcast %convert_element_type3A_246 : f32 to vector<16xf32>
          %add3A_256 = arith.addf %add3A_254, %add3A_255 : vector<16xf32>
          %add3A_257 = vector.broadcast %convert_element_type3A_253 : f32 to vector<16xf32>
          %add3A_258 = arith.addf %get3A_239, %add3A_257 : vector<16xf32>
          %max3A = arith.constant 0.000000e+00 : f32
          %max3A_259 = vector.broadcast %max3A : f32 to vector<16xf32>
          %max3A_260 = arith.maximumf %add3A_256, %max3A_259 : vector<16xf32>
          %min3A_261 = arith.constant 5.130000e+02 : f32
          %min3A_262 = vector.broadcast %min3A_261 : f32 to vector<16xf32>
          %min3A_263 = arith.minimumf %max3A_260, %min3A_262 : vector<16xf32>
          %max3A_264 = arith.constant 0.000000e+00 : f32
          %max3A_265 = vector.broadcast %max3A_264 : f32 to vector<16xf32>
          %max3A_266 = arith.maximumf %add3A_258, %max3A_265 : vector<16xf32>
          %min3A_267 = arith.constant 5.130000e+02 : f32
          %min3A_268 = vector.broadcast %min3A_267 : f32 to vector<16xf32>
          %min3A_269 = arith.minimumf %max3A_266, %min3A_268 : vector<16xf32>
          %convert_element_type3A_270 = arith.fptosi %min3A_263 : vector<16xf32> to vector<16xi32>
          %convert_element_type3A_271 = arith.fptosi %min3A_269 : vector<16xf32> to vector<16xi32>
          %convert_element_type3A_272 = arith.sitofp %convert_element_type3A_270 : vector<16xi32> to vector<16xf32>
          %sub3A_273 = arith.subf %min3A_263, %convert_element_type3A_272 : vector<16xf32>
          %convert_element_type3A_274 = arith.sitofp %convert_element_type3A_271 : vector<16xi32> to vector<16xf32>
          %sub3A_275 = arith.subf %min3A_269, %convert_element_type3A_274 : vector<16xf32>
          %sub3A_276 = arith.constant 1.000000e+00 : f32
          %sub3A_277 = vector.broadcast %sub3A_276 : f32 to vector<16xf32>
          %sub3A_278 = arith.subf %sub3A_277, %sub3A_273 : vector<16xf32>
          %sub3A_279 = arith.constant 1.000000e+00 : f32
          %sub3A_280 = vector.broadcast %sub3A_279 : f32 to vector<16xf32>
          %sub3A_281 = arith.subf %sub3A_280, %sub3A_275 : vector<16xf32>
          %get3A_282 = arith.index_cast %mul3A_234 : i32 to index
          %get3A_283 = tpu.vector_load %arg17[%get3A_282] {strides = array<i32>} : memref<4096xf32, #tpu.memory_space<vmem>>, vector<16xf32>,
          %mul3A_284 = arith.mulf %get3A_283, %sub3A_278 : vector<16xf32>
          %get3A_285 = arith.index_cast %mul3A_234 : i32 to index
          %get3A_286 = tpu.vector_load %arg18[%get3A_285] {strides = array<i32>} : memref<4096xf32, #tpu.memory_space<vmem>>, vector<16xf32>,
          %mul3A_287 = arith.mulf %get3A_286, %sub3A_273 : vector<16xf32>
          %add3A_288 = arith.addf %mul3A_284, %mul3A_287 : vector<16xf32>
          %mul3A_289 = arith.mulf %sub3A_281, %add3A_288 : vector<16xf32>
          %get3A_290 = arith.index_cast %mul3A_234 : i32 to index
          %get3A_291 = tpu.vector_load %arg19[%get3A_290] {strides = array<i32>} : memref<4096xf32, #tpu.memory_space<vmem>>, vector<16xf32>,
          %mul3A_292 = arith.mulf %get3A_291, %sub3A_278 : vector<16xf32>
          %get3A_293 = arith.index_cast %mul3A_234 : i32 to index
          %get3A_294 = tpu.vector_load %arg20[%get3A_293] {strides = array<i32>} : memref<4096xf32, #tpu.memory_space<vmem>>, vector<16xf32>,
          %mul3A_295 = arith.mulf %get3A_294, %sub3A_273 : vector<16xf32>
          %add3A_296 = arith.addf %mul3A_292, %mul3A_295 : vector<16xf32>
          %mul3A_297 = arith.mulf %sub3A_275, %add3A_296 : vector<16xf32>
          %add3A_298 = arith.addf %mul3A_289, %mul3A_297 : vector<16xf32>
          %swap3A = arith.index_cast %mul3A_234 : i32 to index
          %swap3A_299 = tpu.vector_load %arg12[%swap3A] {strides = array<i32>} : memref<4096xf32, #tpu.memory_space<vmem>>, vector<16xf32>,
          tpu.vector_store %arg12[%swap3A], %add3A_298 {strides = array<i32>} : memref<4096xf32, #tpu.memory_space<vmem>>, vector<16xf32>,
        }
        %scan3A_231 = arith.constant 256 : i32
      } else {
      }
      %mul3A_201 = arith.constant 4096 : i32
      %mul3A_202 = arith.muli %add3A_131, %mul3A_201 : i32
      %add3A_203 = arith.addi %mul3A_22, %mul3A_202 : i32
      %dma_start3A_204 = tpu.memref_slice %arg5[%add3A_203] : memref<8388608xf32, #tpu.memory_space<hbm>> -> memref<4096xf32, #tpu.memory_space<hbm>>
      %dma_start3A_205 = tpu.memref_slice %arg5[%add3A_203] : memref<8388608xf32, #tpu.memory_space<hbm>> -> memref<4096xf32, #tpu.memory_space<hbm>>
      tpu.enqueue_dma source(%arg12 : memref<4096xf32, #tpu.memory_space<vmem>>) target(%dma_start3A_205 : memref<4096xf32, #tpu.memory_space<hbm>>) target_semaphore(%arg24 : memref<!tpu.dma_semaphore, #tpu.memory_space<semaphore_mem>>)
    }
    %scan3A_43 = arith.constant 32 : i32
    %dma_wait3A = tpu.memref_slice %arg5[%mul3A_22] : memref<8388608xf32, #tpu.memory_space<hbm>> -> memref<4096xf32, #tpu.memory_space<hbm>>
    %dma_wait3A_44 = tpu.memref_slice %arg5[%mul3A_22] : memref<8388608xf32, #tpu.memory_space<hbm>> -> memref<4096xf32, #tpu.memory_space<hbm>>
    tpu.wait_dma2 semaphore(%arg23 : memref<!tpu.dma_semaphore, #tpu.memory_space<semaphore_mem>>) src(%arg11 : memref<4096xf32, #tpu.memory_space<vmem>>) dst(%dma_wait3A_44 : memref<4096xf32, #tpu.memory_space<hbm>>)
    %dma_wait3A_45 = tpu.memref_slice %arg5[%mul3A_22] : memref<8388608xf32, #tpu.memory_space<hbm>> -> memref<4096xf32, #tpu.memory_space<hbm>>
    %dma_wait3A_46 = tpu.memref_slice %arg5[%mul3A_22] : memref<8388608xf32, #tpu.memory_space<hbm>> -> memref<4096xf32, #tpu.memory_space<hbm>>
    tpu.wait_dma2 semaphore(%arg24 : memref<!tpu.dma_semaphore, #tpu.memory_space<semaphore_mem>>) src(%arg12 : memref<4096xf32, #tpu.memory_space<vmem>>) dst(%dma_wait3A_46 : memref<4096xf32, #tpu.memory_space<hbm>>)
    %dma_wait3A_47 = tpu.memref_slice %arg3[%mul3A_20] : memref<8388608xf32, #tpu.memory_space<hbm>> -> memref<4096xf32, #tpu.memory_space<hbm>>
    %dma_wait3A_48 = tpu.memref_slice %arg3[%mul3A_20] : memref<8388608xf32, #tpu.memory_space<hbm>> -> memref<4096xf32, #tpu.memory_space<hbm>>
    tpu.wait_dma2 semaphore(%arg21 : memref<!tpu.dma_semaphore, #tpu.memory_space<semaphore_mem>>) src(%dma_wait3A_48 : memref<4096xf32, #tpu.memory_space<hbm>>) dst(%arg7 : memref<4096xf32, #tpu.memory_space<vmem>>)
    %dma_wait3A_49 = tpu.memref_slice %arg4[%mul3A_20] : memref<8388608xf32, #tpu.memory_space<hbm>> -> memref<4096xf32, #tpu.memory_space<hbm>>
    %dma_wait3A_50 = tpu.memref_slice %arg4[%mul3A_20] : memref<8388608xf32, #tpu.memory_space<hbm>> -> memref<4096xf32, #tpu.memory_space<hbm>>
    tpu.wait_dma2 semaphore(%arg21 : memref<!tpu.dma_semaphore, #tpu.memory_space<semaphore_mem>>) src(%dma_wait3A_50 : memref<4096xf32, #tpu.memory_space<hbm>>) dst(%arg8 : memref<4096xf32, #tpu.memory_space<vmem>>)
    %dma_wait3A_51 = arith.constant 0 : i32
    %dma_wait3A_52 = tpu.memref_slice %arg6[%dma_wait3A_51] : memref<40976xf32, #tpu.memory_space<vmem>> -> memref<5120xf32, #tpu.memory_space<vmem>>
    %dma_wait3A_53 = tpu.memref_slice %arg2[%mul3A_18] : memref<1392640xf32, #tpu.memory_space<hbm>> -> memref<5120xf32, #tpu.memory_space<hbm>>
    %dma_wait3A_54 = arith.constant 0 : i32
    %dma_wait3A_55 = tpu.memref_slice %arg6[%dma_wait3A_54] : memref<40976xf32, #tpu.memory_space<vmem>> -> memref<5120xf32, #tpu.memory_space<vmem>>
    %dma_wait3A_56 = tpu.memref_slice %arg2[%mul3A_18] : memref<1392640xf32, #tpu.memory_space<hbm>> -> memref<5120xf32, #tpu.memory_space<hbm>>
    tpu.wait_dma2 semaphore(%arg25 : memref<!tpu.dma_semaphore, #tpu.memory_space<semaphore_mem>>) src(%dma_wait3A_56 : memref<5120xf32, #tpu.memory_space<hbm>>) dst(%dma_wait3A_55 : memref<5120xf32, #tpu.memory_space<vmem>>)
    return
  }
}

</mosaic_0001>

<sc_bundles>
// kernel: _warp_call.3.cloned.1.call-start
scs
__scs_entry_jumppad:
0x0: {  	(pc) =	sbr.rel $0x88, $3  }
0x1: {  	(tag) =	ssettag $0x0;
	lr =	simm.s32 $0x1  }
0x2: {  	[smem:$0x3F9E] =	sst lr;
	_ =	strace $0xD0000000  }
0x3: {  	_ = 	snop  }
0x4: {  	_ = 	snop  }
0x5: {  	_ = 	snop  }
0x6: {  	_ = 	snop  }
0x7: {  	_ = 	snop  }
__scs_overlays_trampoline_lowered:
0x8: {  	[smem:$0x3FAD] =	sst s0  }
0x9: {  	[smem:$0x3FAE] =	sst s1  }
0xa: {  	[smem:$0x3FAF] =	sst s2  }
0xb: {  	[smem:$0x3FB0] =	sst s3  }
0xc: {  	[smem:$0x3FB1] =	sst s4  }
0xd: {  	[smem:$0x3FB2] =	sst s5  }
0xe: {  	[smem:$0x3FB3] =	sst s6  }
0xf: {  	[smem:$0x3FB4] =	sst s7  }
0x10: {  	[smem:$0x3FB5] =	sst s8  }
0x11: {  	[smem:$0x3FB6] =	sst s9;
	s0 =	simm.s32 @!p0 $0x0  }
0x12: {  	s1 =	sld [smem:$0x3F9C];
	s0 =	simm.s32 @p0 $0x1  }
0x13: {  	[smem:$0x3FB7] =	sst s0;
	s0 =	simm.s32 @!p1 $0x0  }
0x14: {  	s2 =	sld [smem:$0x3F9B];
	s0 =	simm.s32 @p1 $0x1  }
0x15: {  	[smem:$0x3FB8] =	sst s0;
	s0 =	simm.s32 @!p2 $0x0  }
0x16: {  	s3 =	sld [smem:$0x3FDB];
	s0 =	simm.s32 @p2 $0x1  }
0x17: {  	s4 =	simm.s32 $0x1BF5;
	[smem:$0x3FBA] =	sst s0  }
0x18: {  	s0 =	sld [smem:$0x3F9D];
	_ =	swait.ge [sflag:s4], $0x0  }
0x19: {  	s7 =	sld [smem:$0x3F9E]  }
0x1a: {  	s8 =	sadd.s32 $0xFFFFE003, lr  }
0x1b: {  	s9 =	sadd.s32 $0xFFFFFEF7, lr;
	s5 =	simm.s32 $0xFFFFFFFF;
	p2 =	slt.u32 s8, $0xFFFFF086  }
0x1c: {  	p1 =	slt.u32 s9, $0xF7A;
	s5 =	simm.s32 @!p2 $0x0  }
0x1d: {  	s5 =	simm.s32 @p1 $0x1;
	p0 =	seq.s32 s7, s2  }
0x1e: {  	s7 =	smul.u32 @!p0 $0xF7A, s2;
	p2 =	seq.s32 @!p0 s5, $0x0  }
0x1f: {  	s9 =	smul.u32 $0xF7A, s1;
	s8 =	simm.s32 @!p0 $0x1BF5;
	p2 =	por !p2, p0  }
0x20: {  	[sflag:s8] =	ssyncset.s32 @!p0 $0xFFFFF086;
	s6 =	sadd.s32 @!p0 s3, s7;
	s7 =	simm.s32 @!p0 $0x108  }
0x21: {  	s3 =	sadd.s32 s3, s9;
	s6 =	sadd.s32 @!p0 $0x88, s6;
	s7 =	simm.s32 @p2 $0x1082  }
0x22: {  	[simem:s7], [sflag:s8] =	dma.local @!p0 [hbm:s6], $0xF7A  }
0x23: {  	s9 =	sor.u32 $0xD0000000, s2;
	s6 =	simm.s32 $0x108;
	_ =	swait.ge @!p0 [sflag:s8], $0x0  }
0x24: {  	s3 =	sadd.s32 $0x88, s3;
	s6 =	simm.s32 @!p1 $0x1082;
	[sflag:s4] =	ssyncset.s32 $0xFFFFF086  }
0x25: {  	[simem:s6], [sflag:s4] =	dma.local [hbm:s3], $0xF7A  }
0x26: {  	[smem:$0x3F9E] =	sst s1;
	(tag) =	ssettag s2;
	_ =	strace s9  }
0x27: {  	s1 =	sld [smem:$0x3FAE]  }
0x28: {  	s2 =	sld [smem:$0x3FAF]  }
0x29: {  	s4 =	sld [smem:$0x3FB1]  }
0x2a: {  	p0 =	seq.s32 s5, $0x0;
	s5 =	sld [smem:$0x3FB2]  }
0x2b: {  	s6 =	sld [smem:$0x3FB3]  }
0x2c: {  	s7 =	sld [smem:$0x3FB4]  }
0x2d: {  	s3 =	simm.s32 $0x108;
	s8 =	sld [smem:$0x3FB5]  }
0x2e: {  	s3 =	simm.s32 @!p0 $0x1082;
	s9 =	sld [smem:$0x3FB6]  }
0x2f: {  	lr =	sadd.s32 s0, s3;
	s0 =	sld [smem:$0x3FAD]  }
0x30: {  	s3 =	sld [smem:$0x3FB0]  }
0x31: {  	[smem:$0x3FB9] =	sst s10  }
0x32: {  	s10 =	sld [smem:$0x3FB7];
	_ =	sdelay $0x3  }
0x33: {  	p0 =	seq.s32 s10, $0x1;
	s10 =	sld [smem:$0x3FB9];
	_ =	sdelay $0x3  }
0x34: {  	[smem:$0x3FB9] =	sst s10  }
0x35: {  	s10 =	sld [smem:$0x3FB8];
	_ =	sdelay $0x3  }
0x36: {  	p1 =	seq.s32 s10, $0x1;
	s10 =	sld [smem:$0x3FB9];
	_ =	sdelay $0x3  }
0x37: {  	[smem:$0x3FB9] =	sst s10  }
0x38: {  	s10 =	sld [smem:$0x3FBA]  }
0x39: {  	_ = 	snop;
	(pc) =	sbr.ind lr, $3  }
0x3a: {  	_ = 	snop  }
0x3b: {  	_ = 	snop  }
0x3c: {  	p2 =	seq.s32 s10, $0x1;
	s10 =	sld [smem:$0x3FB9]  }
0x3d: {  	_ =	shalt  }
0x3e: {  	_ =	shalt  }
0x3f: {  	_ =	shalt  }
0x40: {  	_ =	shalt  }
0x41: {  	_ =	shalt  }
0x42: {  	_ =	shalt  }
0x43: {  	_ =	shalt  }
0x44: {  	_ =	shalt  }
0x45: {  	_ =	shalt  }
0x46: {  	_ =	shalt  }
0x47: {  	_ =	shalt  }
0x48: {  	_ =	shalt  }
0x49: {  	_ =	shalt  }
0x4a: {  	_ =	shalt  }
0x4b: {  	_ =	shalt  }
0x4c: {  	_ =	shalt  }
0x4d: {  	_ =	shalt  }
0x4e: {  	_ =	shalt  }
0x4f: {  	_ =	shalt  }
0x50: {  	_ =	shalt  }
0x51: {  	_ =	shalt  }
0x52: {  	_ =	shalt  }
0x53: {  	_ =	shalt  }
0x54: {  	_ =	shalt  }
0x55: {  	_ =	shalt  }
0x56: {  	_ =	shalt  }
0x57: {  	_ =	shalt  }
0x58: {  	_ =	shalt  }
0x59: {  	_ =	shalt  }
0x5a: {  	_ =	shalt  }
0x5b: {  	_ =	shalt  }
0x5c: {  	_ =	shalt  }
0x5d: {  	_ =	shalt  }
0x5e: {  	_ =	shalt  }
0x5f: {  	_ =	shalt  }
0x60: {  	_ =	shalt  }
0x61: {  	_ =	shalt  }
0x62: {  	_ =	shalt  }
0x63: {  	_ =	shalt  }
0x64: {  	_ =	shalt  }
0x65: {  	_ =	shalt  }
0x66: {  	_ =	shalt  }
0x67: {  	_ =	shalt  }
0x68: {  	_ =	shalt  }
0x69: {  	_ =	shalt  }
0x6a: {  	_ =	shalt  }
0x6b: {  	_ =	shalt  }
0x6c: {  	_ =	shalt  }
0x6d: {  	_ =	shalt  }
0x6e: {  	_ =	shalt  }
0x6f: {  	_ =	shalt  }
0x70: {  	_ =	shalt  }
0x71: {  	_ =	shalt  }
0x72: {  	_ =	shalt  }
0x73: {  	_ =	shalt  }
0x74: {  	_ =	shalt  }
0x75: {  	_ =	shalt  }
0x76: {  	_ =	shalt  }
0x77: {  	_ =	shalt  }
0x78: {  	_ =	shalt  }
0x79: {  	_ =	shalt  }
0x7a: {  	_ =	shalt  }
0x7b: {  	_ =	shalt  }
0x7c: {  	_ =	shalt  }
0x7d: {  	_ =	shalt  }
0x7e: {  	_ =	shalt  }
0x7f: {  	_ =	shalt  }
0x80: {  	_ =	shalt  }
0x81: {  	_ =	shalt  }
0x82: {  	_ =	shalt  }
0x83: {  	_ =	shalt  }
0x84: {  	_ =	shalt  }
0x85: {  	_ =	shalt  }
0x86: {  	_ =	shalt  }
0x87: {  	_ =	shalt  }
.Lfunc_end0:
.L_simem_size_0:
called_computation_lowered:
.L_overlay_start_0:
0x88: {  	s2 =	sld [smem:$0x3FD9]  }
0x89: {  	s3 =	sld [smem:$0x3FFE];
	_ =	sdelay $0x1  }
0x8a: {  	s1 =	srdreg.scid  }
0x8b: {  	s0 =	sand.u32 $0x1, s1  }
0x8c: {  	s18 =	sshll.u32 s0, $0xA;
	s2 =	sadd.s32 s3, s2  }
0x8d: {  	s2 =	sadd.s32 s2, s18  }
0x8e: {  	[smem:$0x3FC5] =	sst s2  }
0x8f: {  	_ = 	snop  }
0x90: {  	s2 =	sld [smem:$0x3FC9]  }
0x91: {  	s19 =	sld [smem:$0x3FC8]  }
0x92: {  	s4 =	sld [smem:$0x3FC7]  }
0x93: {  	s5 =	sld [smem:$0x3FD0];
	(tm) =	ssettm $0x1  }
0x94: {  	s6 =	sld [smem:$0x3FFB];
	_ =	sdelay $0x3  }
0x95: {  	_ =	strace s6  }
0x96: {  	s6 =	sld [smem:$0x3FFC];
	_ =	sdelay $0x3  }
0x97: {  	_ =	strace s6  }
0x98: {  	s6 =	sld [smem:$0x3FFD];
	_ =	sdelay $0x3  }
0x99: {  	_ =	strace s6  }
0x9a: {  	_ =	strace $0x8FFFFFFF  }
0x9b: {  	s20 =	sld [smem:$0x3FDB];
	_ =	sdelay $0x1  }
0x9c: {  	s7 =	simm.s32 $_scs_section_size  }
0x9d: {  	s8 =	simm.s32 $_size__tile_overlayer_lowered;
	s9 =	simm.s32 $_tile_overlayer_lowered  }
0x9e: {  	s23 =	simm.s32 $0x1BFF;
	s22 =	sshll.u32 s9, $0x1;
	s6 =	sadd.s32 s7, s20  }
0x9f: {  	s10 =	simm.s32 $0x0;
	s21 =	sshll.u32 s8, $0x1;
	s8 =	sadd.s32 s22, s6  }
0xa0: {  	[timem:s10], [sflag:s23] =	dma.local [hbm:s8], s21  }
0xa1: {  	_ =	swait.ge [sflag:s23], s21  }
0xa2: {  	s7 =	ssub.s32 $0x0, s21;
	[sflag:s23] =	ssyncset.done $0x0  }
0xa3: {  	[sflag:s23] =	ssyncadd.s32 s7;
	_ =	sdelay $0x1  }
0xa4: {  	s24 =	simm.s32 $0x1B8B  }
0xa5: {  	_ =	swait.ge [sflag:s24], $0x1  }
0xa6: {  	[sflag:s24] =	ssyncset.done $0x0  }
0xa7: {  	s25 =	simm.s32 $0x1B8E;
	[sflag:s24] =	ssyncadd.s32 $0xFFFFFFFF  }
0xa8: {  	s26 =	simm.s32 $execute0_lowered;
	[smem:$0x3FD2] =	sst s25  }
0xa9: {  	s7 =	sshll.u32 s26, $0x1;
	_ =	strace $0x80000046;
	[dreg:$0x1] =	wrdreg $0xFFFFFFFF  }
0xaa: {  	s28 =	simm.s32 $_size_execute0_lowered;
	s6 =	sadd.s32 s6, s7;
	[dreg:$0x0] =	wrdreg $0x0  }
0xab: {  	s7 =	sshll.u32 s28, $0x1;
	[dreg:$0x2] =	wrdreg s6  }
0xac: {  	[dreg:$0x3] =	wrdreg s7  }
0xad: {  	[dreg:$0x4] =	wrdreg $0xC0  }
0xae: {  	_ =	task [dreg:s10], $0x5FFFF  }
0xaf: {  	[dreg:$0x1] =	wrdreg $0xFFFFFFFF  }
0xb0: {  	[dreg:$0x0] =	wrdreg $0x60  }
0xb1: {  	[dreg:$0x2] =	wrdreg s2  }
0xb2: {  	[dreg:$0x3] =	wrdreg s19  }
0xb3: {  	[dreg:$0x4] =	wrdreg s4  }
0xb4: {  	[dreg:$0x5] =	wrdreg s5  }
0xb5: {  	[dreg:$0x6] =	wrdreg $0x9  }
0xb6: {  	_ =	task.clear_ibuf [dreg:s10], $0x7FFFF;
	_ =	strace $0x90000046  }
0xb7: {  	s29 =	simm.s32 $0x9;
	_ =	strace $0x80000048  }
0xb8: {  	_ =	swait.ge [sflag:s29], $0x1  }
0xb9: {  	[sflag:s29] =	ssyncadd.s32 $0xFFFFFFFF  }
0xba: {  	_ =	strace $0x90000048  }
0xbb: {  	_ =	sfence  }
0xbc: {  	s30 =	sld [smem:$0x0];
	_ =	sdelay $0x2  }
0xbd: {  	s31 =	sshll.u32 s1, $0xD;
	s1 =	sshrl.u32 s1, $0x2  }
0xbe: {  	s3 =	sand.u32 $0x4000, s31;
	s1 =	sadd.s32 s1, s30  }
0xbf: {  	s0 =	sor.u32 s3, s0;
	s1 =	sshll.u32 s1, $0x11  }
0xc0: {  	s0 =	sor.u32 s1, s0  }
0xc1: {  	s0 =	sadd.s32 $0x8F2B, s0  }
0xc2: {  	[sflag:s0] =	ssyncadd.remote.s32 $0x1  }
0xc3: {  	_ =	sfence.sel $0xFFFF  }
0xc4: {  	[dreg:$0x0] =	wrdreg $0xFFFFFFFF;
	(pc) =	sbr.abs _section_cstart, $3  }
0xc5: {  	[dreg:$0x1] =	wrdreg $0xFFFFFFFF  }
0xc6: {  	_ =	task.clear_ibuf [dreg:s10], $0x2FFFF;
	_ =	strace $0x9FFFFFFF  }
0xc7: {  	(tm) =	ssettm $0x7FFFFFFF  }
tec
execute0_lowered:
.L_overlay_start_1:
0x0: {  	(tag) =	ssettag $0x1  }
0x1: {  	v0 =	vimm.f32 $1.500000000e+01;
	vm0 =	vcmask $0x300  }
0x2: {  	s1 =	rddreg [dreg:$0x0];
	vm14 =	vcmask $0x704;
	v0 =	vsel vm0, $0x0, v0  }
0x3: {  	s2 =	rddreg [dreg:$0x1];
	vm15 =	vcmask $0xB08;
	v0 =	vsel vm14, $0x3F800000, v0  }
0x4: {  	s3 =	rddreg [dreg:$0x2];
	vm4 =	vcmask $0xF0C;
	v0 =	vsel vm15, $0x40000000, v0  }
0x5: {  	s5 =	rddreg [dreg:$0x3];
	s9 =	stileid.u32;
	s6 =	simm.s32 $0x0;
	vm5 =	vcmask $0x1310;
	v0 =	vsel vm4, $0x40400000, v0  }
0x6: {  	s0 =	srdreg.scid;
	vm6 =	vcmask $0x1714;
	s19 =	simm.s32 $0x1;
	s22 =	simm.s32 $0x5;
	v0 =	vsel vm5, $0x40800000, v0  }
0x7: {  	vm7 =	vcmask $0x1B18;
	s23 =	simm.s32 $0x1000;
	s29 =	simm.s32 $0x6;
	s4 =	sshrl.u32 s9, $0x2;
	v0 =	vsel vm6, $0x40A00000, v0  }
0x8: {  	vm8 =	vcmask $0x1F1C;
	[smem:$0x7FF] =	sst s6;
	s0 =	sand.u32 $0x1, s0;
	s9 =	sshll.u32 s9, $0x1;
	v0 =	vsel vm7, $0x40C00000, v0  }
0x9: {  	vm9 =	vcmask $0x2320;
	s7 =	smul.u32 $0x55000, s4;
	s25 =	ssub.s32 $0x2, s0;
	s0 =	sor.u32 s0, s9;
	v0 =	vsel vm8, $0x40E00000, v0  }
0xa: {  	vm10 =	vcmask $0x2724;
	_ =	strace $0x80000047;
	s9 =	sshll.u32 s0, $0x12;
	s0 =	sshll.u32 s0, $0xF;
	v0 =	vsel vm9, $0x41000000, v0  }
0xb: {  	vm11 =	vcmask $0x2B28;
	s8 =	sshrl.u32 s25, $0x1;
	s10 =	sshrl.u32 s7, $0x3;
	s28 =	sadd.s32 s2, s0;
	v0 =	vsel vm10, $0x41100000, v0  }
.Ltmp0:
0xc: {  	vm12 =	vcmask $0x2F2C;
	s0 =	sadd.s32 s3, s0;
	[dreg:$0x7] =	wrdreg s28;
	v0 =	vsel vm11, $0x41200000, v0;
	(pc) =	sbr.rel .LBB2_1-.Ltmp0, $4  }
0xd: {  	vm13 =	vcmask $0x3330;
	s4 =	ssub.s32 s25, s8;
	s26 =	sadd.s32 s1, s10;
	[dreg:$0x8] =	wrdreg s0;
	v0 =	vsel vm12, $0x41300000, v0  }
0xe: {  	s31 =	simm.s32 $0x2;
	vm14 =	vcmask $0x3734;
	s30 =	smax.u32 s4, $0x1;
	[dreg:$0x5] =	wrdreg s26;
	v1 =	vsel vm13, $0x41400000, v0  }
0xf: {  	v3 =	vimm.s32 $0x0;
	s11 =	simm.s32 $0x0;
	vm15 =	vcmask $0x3B38;
	s8 =	sadd.s32 $0x780, s26;
	[dreg:$0x9] =	wrdreg s30;
	v2 =	vsel vm14, $0x41500000, v1  }
0x10: {  	s13 =	sor.u32 $0x2000, s9;
	s4 =	simm.s32 $0x0;
	[dreg:$0x6] =	wrdreg s8;
	v0 =	vmov s7;
	v1 =	vimm.f32 $0.0e+00;
	v2 =	vsel vm15, $0x41600000, v2  }
.LBB2_21:
0x11: {  	s0 =	simm.s32 $0x3  }
0x12: {  	_ =	swait.ge [sflag:s0], $0x1000  }
0x13: {  	[sflag:s0] =	ssyncset.done $0x0  }
0x14: {  	s28 =	simm.s32 $0x4;
	[sflag:s0] =	ssyncadd.s32 $0xFFFFF000  }
0x15: {  	_ =	swait.ge [sflag:s28], $0x1000  }
0x16: {  	[sflag:s28] =	ssyncset.done $0x0  }
0x17: {  	[sflag:s28] =	ssyncadd.s32 $0xFFFFF000  }
0x18: {  	_ =	swait.ge [sflag:s19], $0x1000  }
0x19: {  	[sflag:s19] =	ssyncset.done $0x0  }
0x1a: {  	[sflag:s19] =	ssyncadd.s32 $0xFFFFF000  }
0x1b: {  	_ =	swait.ge [sflag:s19], $0x1000  }
0x1c: {  	[sflag:s19] =	ssyncset.done $0x0  }
0x1d: {  	[sflag:s19] =	ssyncadd.s32 $0xFFFFF000  }
0x1e: {  	_ =	swait.ge [sflag:s22], $0x1400  }
0x1f: {  	s4 =	rddreg [dreg:$0xa]  }
0x20: {  	s30 =	rddreg [dreg:$0x9];
	s4 =	sadd.s32 $0x1, s4  }
0x21: {  	p0 =	sne.s32 s4, s30  }
.Ltmp1:
0x22: {  	_ = 	snop;
	(pc) =	sbr.rel @!p0 .LBB2_22-.Ltmp1, $3  }
0x23: {  	_ =	sdelay $0x1  }
0x24: {  	[sflag:s22] =	ssyncset.done $0x0  }
0x25: {  	[sflag:s22] =	ssyncadd.s32 $0xFFFFEC00  }
.LBB2_1:
0x26: {  	[dreg:$0xa] =	wrdreg s4;
	s0 =	simm.s32 $0x40;
	s4 =	simm.s32 $0x0  }
.LBB2_2:
0x27: {  	p0 =	sne.s32 s0, $0x28000;
	[tilespmem:s4+$0x0] =	vst v1;
	s4 =	smov.u32 s0;
	s0 =	sadd.s32 $0x40, s0  }
.Ltmp2:
0x28: {  	(pc) =	sbr.rel @p0 .LBB2_2-.Ltmp2, $2  }
0x29: {  	_ =	sdelay $0x2  }
0x2a: {  	s4 =	sshra.s32 s4, $0x2  }
0x2b: {  	[tilespmem:s4+$0x0] =	vst v1;
	s0 =	rddreg [dreg:$0x5];
	s20 =	simm.s32 $0x7  }
0x2c: {  	[tilespmem:s11], [sflag:$0x7] =	stream.linear.gather [hbm4b:s0+s11], $0x3C00, $0x38;
	[tilespmem:$0x18080] =	vst v63  }
0x2d: {  	_ =	swait.ge [sflag:s20], $0x3C00  }
0x2e: {  	[sflag:s20] =	ssyncset.done $0x0  }
0x2f: {  	s24 =	simm.s32 $0x3C00;
	s21 =	rddreg [dreg:$0x6];
	[sflag:s20] =	ssyncadd.s32 $0xFFFFC400  }
0x30: {  	[tilespmem:s24], [sflag:$0x5] =	stream.linear.gather [hbm4b:s21+s11], $0x1400, $0x38;
	[tilespmem:$0x18080] =	vst v63  }
.Ltmp3:
0x31: {  	_ = 	snop;
	(pc) =	sbr.rel .LBB2_4-.Ltmp3, $4  }
0x32: {  	s26 =	simm.s32 $0xA080;
	s25 =	rddreg [dreg:$0x7]  }
0x33: {  	[tilespmem:s26], [sflag:$0x1] =	stream.linear.gather [hbm4b:s25+s11], $0x1000, $0x38;
	[tilespmem:$0x18080] =	vst v63  }
0x34: {  	s30 =	simm.s32 $0xB080;
	s12 =	simm.s32 $0x0;
	s28 =	rddreg [dreg:$0x8]  }
0x35: {  	[tilespmem:s30], [sflag:$0x1] =	stream.linear.gather [hbm4b:s28+s11], $0x1000, $0x38;
	[tilespmem:$0x18080] =	vst v63  }
.LBB2_20:
0x36: {  	s12 =	sadd.s32 $0x1, s12  }
0x37: {  	p0 =	sne.s32 s12, $0x20  }
.Ltmp4:
0x38: {  	_ = 	snop;
	(pc) =	sbr.rel @!p0 .LBB2_21-.Ltmp4, $3  }
0x39: {  	_ =	sdelay $0x1  }
0x3a: {  	s0 =	sadd.s32 s5, s14;
	s4 =	simm.s32 $0xF080  }
0x3b: {  	[hbm4b:s0+s6] =	stream.linear.scatter [tilespmem:s4], [sflag:$0x4], $0x1000, $0x38;
	[tilespmem:$0x18080] =	vst v63  }
.LBB2_4:
0x3c: {  	_ =	swait.ge [sflag:s19], $0x1000  }
0x3d: {  	s8 =	sshllo.u32 s12, $0x1;
	[sflag:s19] =	ssyncset.done $0x0  }
0x3e: {  	s4 =	simm.s32 $0xC080;
	s0 =	sshll.u32 s8, $0xC;
	[sflag:s19] =	ssyncadd.s32 $0xFFFFF000  }
0x3f: {  	s15 =	sshll.u32 s12, $0x1;
	s0 =	sadd.s32 s9, s0;
	_ =	swait.ge [sflag:s19], $0x1000  }
0x40: {  	s21 =	simm.s32 $0xD080;
	s14 =	sshrl.u32 s0, $0x3;
	[sflag:s19] =	ssyncset.done $0x0  }
0x41: {  	s24 =	sadd.s32 $0x4, s15;
	s0 =	sadd.s32 s2, s14;
	[sflag:s19] =	ssyncadd.s32 $0xFFFFF000  }
0x42: {  	[tilespmem:s4], [sflag:$0x2] =	stream.linear.gather [hbm4b:s0+s6], $0x1000, $0x38;
	[tilespmem:$0x18080] =	vst v63  }
0x43: {  	s25 =	smul.u32 $0x1400, s24;
	s20 =	sadd.s32 s3, s14;
	s0 =	sand.u32 $0x6, s24  }
0x44: {  	[tilespmem:s21], [sflag:$0x2] =	stream.linear.gather [hbm4b:s20+s6], $0x1000, $0x38;
	[tilespmem:$0x18080] =	vst v63  }
0x45: {  	s4 =	sadd.s32 s7, s25;
	s0 =	smul.u32 $0x5000, s0;
	_ =	swait.ge [sflag:s22], $0x1400  }
0x46: {  	p0 =	seq.s32 s12, $0x0;
	s4 =	sshrl.u32 s4, $0x3;
	[sflag:s22] =	ssyncset.done $0x0  }
0x47: {  	s4 =	sadd.s32 s1, s4;
	s0 =	sshrl.u32 s0, $0x2;
	[sflag:s22] =	ssyncadd.s32 $0xFFFFEC00  }
0x48: {  	[tilespmem:s0], [sflag:$0x5] =	stream.linear.gather [hbm4b:s4+s6], $0x1400, $0x38;
	[tilespmem:$0x18080] =	vst v63  }
0x49: {  	s0 =	simm.s32 @!p0 $0x3  }
0x4a: {  	_ =	swait.ge @!p0 [sflag:s0], $0x1000  }
0x4b: {  	[sflag:s0] =	ssyncset.done @!p0 $0x0  }
0x4c: {  	s26 =	simm.s32 $0xB0A0;
	[sflag:s0] =	ssyncadd.s32 @!p0 $0xFFFFF000  }
0x4d: {  	s10 =	simm.s32 $0xA0A0;
	v5 =	vld [tilespmem:s26+$0x10]  }
0x4e: {  	v6 =	vld [tilespmem:s10+$0x10]  }
0x4f: {  	v7 =	vld [tilespmem:s26+$0xFFFFFFE0]  }
0x50: {  	v8 =	vld [tilespmem:s26+$0xFFFFFFF0]  }
0x51: {  	s16 =	sshll.u32 s12, $0x4;
	v9 =	vld [tilespmem:s26+$0x0]  }
0x52: {  	s4 =	sor.u32 $0x1, s16;
	v10 =	vld [tilespmem:s10+$0xFFFFFFE0]  }
0x53: {  	s20 =	sadd.s32 $0x0, s4;
	v12 =	vld [tilespmem:s10+$0xFFFFFFF0]  }
0x54: {  	s20 =	scvt.s32.f32 s20;
	v14 =	vld [tilespmem:s10+$0x0]  }
0x55: {  	s21 =	simm.s32 $0x30  }
0x56: {  	s30 =	sadd.s32 $0xFFFFFFE8, s16;
	s28 =	sand.u32 $0x1F0, s21;
	v11 =	vadd.f32 s20, v5;
	v13 =	vadd.f32 v2, v6  }
0x57: {  	s17 =	simm.s32 $0x20;
	v4 =	vmov s30;
	s16 =	sadd.s32 $0x1F, s16;
	s0 =	sor.u32 $0x1, s28;
	v7 =	vadd.f32 s20, v7;
	v8 =	vadd.f32 s20, v8  }
0x58: {  	s0 =	scvt.s32.f32 s0;
	s10 =	sand.u32 $0x1E0, s17;
	v6 =	vmov s16;
	v9 =	vadd.f32 s20, v9;
	v10 =	vadd.f32 v2, v10  }
0x59: {  	s10 =	sor.u32 $0x1, s10;
	v12 =	vadd.f32 v2, v12;
	v14 =	vadd.f32 v2, v14;
	v11 =	vmax.f32 v11, $0.0e+00  }
0x5a: {  	s10 =	scvt.s32.f32 s10;
	v13 =	vadd.f32 s0, v13;
	v15 =	vmax.f32 v7, $0.0e+00;
	v11 =	vmin.f32 v11, $5.130000000e+02  }
0x5b: {  	v8 =	vmax.f32 v8, $0.0e+00;
	v9 =	vmax.f32 v9, $0.0e+00;
	v7 =	vtrunc.f32 v11  }
0x5c: {  	v14 =	vadd.f32 s10, v14;
	v13 =	vmax.f32 v13, $0.0e+00;
	v7 =	vcvt.f32.s32 v7  }
0x5d: {  	v15 =	vmin.f32 v15, $5.130000000e+02;
	v8 =	vmin.f32 v8, $5.130000000e+02;
	v13 =	vmin.f32 v13, $5.130000000e+02  }
0x5e: {  	s18 =	sand.u32 $0x1C0, s11;
	s16 =	simm.s32 $0x10;
	v9 =	vmin.f32 v9, $5.130000000e+02;
	v16 =	vtrunc.f32 v13;
	v17 =	vand.u32 $0x3F, v7  }
0x5f: {  	s0 =	sand.u32 $0x1D0, s16;
	s16 =	sor.u32 $0x1, s18;
	v16 =	vcvt.f32.s32 v16;
	v18 =	vadd.s32 $0x1, v7;
	v17 =	vmul.u32 $0x280, v17  }
0x60: {  	s0 =	sor.u32 $0x1, s0;
	s16 =	scvt.s32.f32 s16;
	v22 =	vtrunc.f32 v15;
	v23 =	vtrunc.f32 v9;
	v18 =	vand.u32 $0x3F, v18  }
0x61: {  	s0 =	scvt.s32.f32 s0;
	v19 =	vadd.s32 $0x1, v16;
	v18 =	vmul.u32 $0x280, v18;
	v20 =	vadd.s32 v16, v17  }
0x62: {  	v14 =	vmax.f32 v14, $0.0e+00;
	v10 =	vadd.f32 s16, v10;
	v17 =	vadd.s32 v19, v17  }
0x63: {  	v22 =	vcvt.f32.s32 v22;
	v12 =	vadd.f32 s0, v12;
	v21 =	vadd.s32 v16, v18  }
0x64: {  	v23 =	vcvt.f32.s32 v23;
	v14 =	vmin.f32 v14, $5.130000000e+02;
	v18 =	vadd.s32 v19, v18  }
0x65: {  	v28 =	vtrunc.f32 v14;
	v10 =	vmax.f32 v10, $0.0e+00;
	v12 =	vmax.f32 v12, $0.0e+00  }
0x66: {  	v26 =	vadd.s32 $0x1, v23;
	v24 =	vmin.f32 v12, $5.130000000e+02;
	v12 =	vcvt.s32.f32 v16;
	v20 =	vld.idx.msk [tilespmem:v20+s6+$0x0], $0xffff  }
0x67: {  	v29 =	vcvt.s32.f32 v7;
	v31 =	vand.u32 $0x3F, v22;
	v19 =	vtrunc.f32 v8;
	v16 =	vld.idx.msk [tilespmem:v17+s6+$0x0], $0xffff  }
0x68: {  	v10 =	vmin.f32 v10, $5.130000000e+02;
	v12 =	vsub.f32 v13, v12;
	v19 =	vcvt.f32.s32 v19;
	v21 =	vld.idx.msk [tilespmem:v21+s6+$0x0], $0xffff  }
0x69: {  	v26 =	vand.u32 $0x3F, v26;
	v27 =	vtrunc.f32 v10;
	v11 =	vsub.f32 v11, v29;
	v13 =	vld.idx.msk [tilespmem:v18+s6+$0x0], $0xffff  }
0x6a: {  	v27 =	vcvt.f32.s32 v27;
	v30 =	vsub.f32 $1.000000000e+00, v12;
	v25 =	vadd.s32 $0x1, v19  }
0x6b: {  	v29 =	vand.u32 $0x3F, v19;
	v48 =	vcvt.s32.f32 v19;
	v18 =	vtrunc.f32 v24  }
0x6c: {  	v17 =	vadd.s32 $0x1, v22;
	v25 =	vand.u32 $0x3F, v25;
	v18 =	vcvt.f32.s32 v18  }
0x6d: {  	v17 =	vand.u32 $0x3F, v17;
	v20 =	vmul.f32 v30, v20;
	v16 =	vmul.f32 v12, v16  }
0x6e: {  	v17 =	vmul.u32 $0x280, v17;
	v21 =	vmul.f32 v30, v21;
	v12 =	vmul.f32 v12, v13  }
0x6f: {  	v13 =	vcvt.f32.s32 v28;
	v30 =	vsub.f32 $1.000000000e+00, v11;
	v16 =	vadd.f32 v20, v16  }
0x70: {  	v20 =	vmul.u32 $0x280, v31;
	v31 =	vadd.s32 v27, v17;
	v12 =	vadd.f32 v21, v12  }
0x71: {  	v21 =	vmul.u32 $0x280, v25;
	v25 =	vmul.u32 $0x280, v26;
	v26 =	vmul.u32 $0x280, v29  }
0x72: {  	v32 =	vadd.s32 $0x1, v13;
	v16 =	vmul.f32 v16, v30;
	v11 =	vmul.f32 v12, v11  }
0x73: {  	v29 =	vadd.s32 $0x1, v27;
	v33 =	vadd.s32 v13, v25;
	v25 =	vadd.s32 v32, v25  }
0x74: {  	v28 =	vand.u32 $0x3F, v23;
	v12 =	vadd.f32 v11, v16;
	v11 =	vadd.s32 v29, v17  }
0x75: {  	v28 =	vmul.u32 $0x280, v28;
	v30 =	vadd.s32 $0x1, v18;
	v16 =	vadd.s32 v18, v21  }
0x76: {  	v17 =	vadd.s32 v30, v21;
	v21 =	vadd.s32 v27, v20;
	v20 =	vadd.s32 v29, v20  }
0x77: {  	vm2 =	vgt.s32 v4, v19;
	vm3 =	vle.s32 v6, v19;
	v29 =	vadd.s32 v18, v26;
	v31 =	vld.idx.msk [tilespmem:v31+s6+$0x0], $0xffff  }
0x78: {  	v26 =	vadd.s32 v30, v26;
	v30 =	vadd.s32 v13, v28;
	v13 =	vcvt.s32.f32 v13;
	v19 =	vld.idx.msk [tilespmem:v25+s6+$0x0], $0xffff  }
0x79: {  	v27 =	vcvt.s32.f32 v27;
	v11 =	vld.idx.msk [tilespmem:v11+s6+$0x0], $0xffff  }
0x7a: {  	v5 =	vimm.s32 $0x0;
	v13 =	vsub.f32 v14, v13;
	v14 =	vcvt.s32.f32 v23;
	v16 =	vld.idx.msk [tilespmem:v16+s6+$0x0], $0xffff  }
0x7b: {  	vm0 =	vgt.s32 v4, v22;
	vm1 =	vle.s32 v6, v22;
	v10 =	vsub.f32 v10, v27;
	v20 =	vld.idx.msk [tilespmem:v20+s6+$0x0], $0xffff  }
0x7c: {  	v18 =	vcvt.s32.f32 v18;
	v27 =	vcvt.s32.f32 v22;
	v9 =	vsub.f32 v9, v14;
	v14 =	vld.idx.msk [tilespmem:v21+s6+$0x0], $0xffff  }
0x7d: {  	vm0 =	vmor vm0, vm1;
	vm1 =	vmor vm2, vm3;
	v22 =	vsub.f32 $1.000000000e+00, v10;
	v17 =	vld.idx.msk [tilespmem:v17+s6+$0x0], $0xffff  }
0x7e: {  	vm2 =	vgt.s32 v4, v23;
	v18 =	vsub.f32 v24, v18;
	v15 =	vsub.f32 v15, v27;
	v27 =	vld.idx.msk [tilespmem:v33+s6+$0x0], $0xffff  }
0x7f: {  	s20 =	simm.s32 $0xB0E0;
	vm3 =	vle.s32 v6, v23;
	v28 =	vadd.s32 v32, v28;
	v29 =	vld.idx.msk [tilespmem:v29+s6+$0x0], $0xffff;
	v25 =	vmul.f32 v22, v31  }
0x80: {  	v24 =	vsub.f32 $1.000000000e+00, v18;
	v11 =	vmul.f32 v10, v11;
	v10 =	vmul.f32 v10, v20;
	v20 =	vld [tilespmem:s20+$0xFFFFFFE0]  }
0x81: {  	v8 =	vsub.f32 v8, v48;
	vm0 =	vmor vm0, vm1;
	v14 =	vmul.f32 v22, v14;
	v22 =	vld [tilespmem:s20+$0xFFFFFFF0]  }
0x82: {  	v16 =	vmul.f32 v24, v16;
	v17 =	vmul.f32 v18, v17;
	v11 =	vadd.f32 v25, v11;
	v25 =	vld.idx.msk [tilespmem:v26+s6+$0x0], $0xffff  }
0x83: {  	vm1 =	vmor vm2, vm3;
	v49 =	vsub.f32 $1.000000000e+00, v13;
	v21 =	vsub.f32 $1.000000000e+00, v15;
	v26 =	vld.idx.msk [tilespmem:v30+s6+$0x0], $0xffff  }
0x84: {  	s16 =	simm.s32 $0xA0E0;
	v10 =	vadd.f32 v14, v10;
	v11 =	vmul.f32 v11, v15;
	v15 =	vadd.f32 v16, v17;
	v16 =	vld.idx.msk [tilespmem:v28+s6+$0x0], $0xffff  }
0x85: {  	vm2 =	vgt.s32 v4, v7;
	vm3 =	vle.s32 v6, v7;
	v17 =	vmul.f32 v13, v19;
	v19 =	vld [tilespmem:s16+$0x10]  }
0x86: {  	s21 =	sadd.s32 $0x0, s4;
	vm0 =	vmor vm0, vm1;
	v27 =	vmul.f32 v49, v27;
	v10 =	vmul.f32 v10, v21;
	v21 =	vld [tilespmem:s16+$0x0]  }
0x87: {  	s10 =	scvt.s32.f32 s21;
	v31 =	vsub.f32 $1.000000000e+00, v8;
	v23 =	vsub.f32 $1.000000000e+00, v9;
	v7 =	vmul.f32 v15, v8;
	v15 =	vld [tilespmem:s20+$0x10]  }
0x88: {  	v8 =	vadd.f32 v27, v17;
	v17 =	vmul.f32 v24, v29;
	v18 =	vmul.f32 v18, v25  }
0x89: {  	s24 =	simm.s32 $0x70;
	vm1 =	vmor vm2, vm3;
	v20 =	vadd.f32 s10, v20;
	v22 =	vadd.f32 s10, v22  }
0x8a: {  	s25 =	sand.u32 $0x1F0, s24;
	s28 =	simm.s32 $0x60;
	v14 =	vmul.f32 v49, v26;
	v17 =	vadd.f32 v17, v18;
	v13 =	vmul.f32 v13, v16;
	v16 =	vld [tilespmem:s20+$0x0]  }
0x8b: {  	s0 =	sor.u32 $0x1, s25;
	vm0 =	vmor vm0, vm1;
	v18 =	vld [tilespmem:s16+$0xFFFFFFE0];
	v19 =	vadd.f32 v2, v19;
	v21 =	vadd.f32 v2, v21;
	s20 =	sand.u32 $0x1E0, s28  }
0x8c: {  	s0 =	scvt.s32.f32 s0;
	v8 =	vmul.f32 v8, v9;
	s20 =	sor.u32 $0x1, s20;
	v15 =	vadd.f32 s10, v15;
	v13 =	vadd.f32 v14, v13  }
0x8d: {  	v9 =	vmul.f32 v17, v31;
	v17 =	vld [tilespmem:s16+$0xFFFFFFF0];
	v14 =	vadd.f32 v11, v10;
	v10 =	vsel vm0, $0x1, v3;
	s20 =	scvt.s32.f32 s20  }
0x8e: {  	v15 =	vmax.f32 v15, $0.0e+00;
	v11 =	vmul.f32 v13, v23;
	v13 =	vadd.f32 s0, v19  }
0x8f: {  	v19 =	vmax.f32 v20, $0.0e+00;
	v21 =	vadd.f32 s20, v21;
	v15 =	vmin.f32 v15, $5.130000000e+02  }
0x90: {  	v16 =	vadd.f32 s10, v16;
	v18 =	vadd.f32 v2, v18;
	v19 =	vmin.f32 v19, $5.130000000e+02  }
0x91: {  	v20 =	vtrunc.f32 v15;
	v23 =	vmax.f32 v13, $0.0e+00;
	v29 =	vtrunc.f32 v19  }
0x92: {  	s26 =	simm.s32 $0x50;
	v21 =	vmax.f32 v21, $0.0e+00;
	v13 =	vcvt.f32.s32 v20;
	v17 =	vadd.f32 v2, v17  }
0x93: {  	s0 =	sand.u32 $0x1D0, s26;
	v20 =	vmax.f32 v22, $0.0e+00;
	v22 =	vmin.f32 v23, $5.130000000e+02;
	v16 =	vmax.f32 v16, $0.0e+00  }
0x94: {  	s0 =	sor.u32 $0x1, s0;
	v29 =	vcvt.f32.s32 v29;
	v21 =	vmin.f32 v21, $5.130000000e+02;
	v23 =	vtrunc.f32 v22  }
0x95: {  	s0 =	scvt.s32.f32 s0;
	v20 =	vmin.f32 v20, $5.130000000e+02;
	v16 =	vmin.f32 v16, $5.130000000e+02;
	v24 =	vand.u32 $0x3F, v13  }
0x96: {  	s10 =	simm.s32 $0x40;
	v23 =	vcvt.f32.s32 v23;
	v25 =	vadd.s32 $0x1, v13;
	v24 =	vmul.u32 $0x280, v24  }
0x97: {  	s30 =	sand.u32 $0x1C0, s10;
	v52 =	vtrunc.f32 v21;
	v17 =	vadd.f32 s0, v17;
	v25 =	vand.u32 $0x3F, v25  }
0x98: {  	s21 =	sor.u32 $0x1, s30;
	v26 =	vadd.s32 $0x1, v23;
	v25 =	vmul.u32 $0x280, v25;
	v27 =	vadd.s32 v23, v24  }
0x99: {  	s21 =	scvt.s32.f32 s21;
	v30 =	vtrunc.f32 v16;
	v31 =	vadd.s32 $0x1, v29;
	v24 =	vadd.s32 v26, v24  }
0x9a: {  	v36 =	vcvt.s32.f32 v13;
	vm0 =	vgt.s32 v4, v29;
	v28 =	vadd.s32 v23, v25  }
0x9b: {  	vm1 =	vle.s32 v6, v29;
	v18 =	vadd.f32 s21, v18;
	v25 =	vadd.s32 v26, v25  }
0x9c: {  	v38 =	vand.u32 $0x3F, v29;
	v30 =	vcvt.f32.s32 v30;
	vm0 =	vmor vm0, vm1  }
0x9d: {  	v17 =	vmax.f32 v17, $0.0e+00;
	v15 =	vsub.f32 v15, v36;
	v18 =	vmax.f32 v18, $0.0e+00;
	v27 =	vld.idx.msk [tilespmem:v27+s6+$0x0], $0xffff  }
0x9e: {  	v17 =	vmin.f32 v17, $5.130000000e+02;
	v51 =	vadd.s32 $0x1, v30;
	v23 =	vcvt.s32.f32 v23;
	v24 =	vld.idx.msk [tilespmem:v24+s6+$0x0], $0xffff  }
0x9f: {  	v54 =	vand.u32 $0x3F, v30;
	v26 =	vtrunc.f32 v20;
	v18 =	vmin.f32 v18, $5.130000000e+02;
	v28 =	vld.idx.msk [tilespmem:v28+s6+$0x0], $0xffff  }
0xa0: {  	v35 =	vtrunc.f32 v17;
	v33 =	vand.u32 $0x3F, v51;
	v22 =	vsub.f32 v22, v23;
	v25 =	vld.idx.msk [tilespmem:v25+s6+$0x0], $0xffff  }
0xa1: {  	v55 =	vsub.f32 $1.000000000e+00, v15;
	v32 =	vmul.u32 $0x280, v54;
	v26 =	vcvt.f32.s32 v26  }
0xa2: {  	v34 =	vtrunc.f32 v18;
	v35 =	vcvt.f32.s32 v35;
	v37 =	vsub.f32 $1.000000000e+00, v22  }
0xa3: {  	v23 =	vand.u32 $0x3F, v31;
	v34 =	vcvt.f32.s32 v34;
	v50 =	vadd.s32 $0x1, v26  }
0xa4: {  	v53 =	vand.u32 $0x3F, v26;
	v27 =	vmul.f32 v37, v27;
	v24 =	vmul.f32 v22, v24  }
0xa5: {  	v23 =	vmul.u32 $0x280, v23;
	v28 =	vmul.f32 v37, v28;
	v22 =	vmul.f32 v22, v25  }
0xa6: {  	v57 =	vadd.s32 $0x1, v35;
	vm2 =	vgt.s32 v4, v26;
	vm3 =	vle.s32 v6, v26  }
0xa7: {  	v31 =	vand.u32 $0x3F, v50;
	v24 =	vadd.f32 v27, v24;
	v22 =	vadd.f32 v28, v22  }
0xa8: {  	v56 =	vmul.u32 $0x280, v53;
	vm1 =	vmor vm2, vm3;
	vm2 =	vgt.s32 v4, v30  }
0xa9: {  	v58 =	vadd.s32 v34, v23;
	v24 =	vmul.f32 v24, v55;
	v15 =	vmul.f32 v22, v15  }
0xaa: {  	v25 =	vcvt.f32.s32 v52;
	v28 =	vmul.u32 $0x280, v31;
	v22 =	vadd.s32 $0x1, v34  }
0xab: {  	v27 =	vmul.u32 $0x280, v38;
	v24 =	vadd.f32 v15, v24;
	v15 =	vadd.s32 v22, v23  }
0xac: {  	vm3 =	vle.s32 v6, v30;
	v31 =	vmul.u32 $0x280, v33;
	v23 =	vadd.s32 v35, v28  }
0xad: {  	v59 =	vadd.s32 $0x1, v25;
	v39 =	vadd.s32 v34, v27;
	v28 =	vadd.s32 v57, v28  }
0xae: {  	v40 =	vadd.s32 v25, v31;
	v27 =	vadd.s32 v22, v27;
	v22 =	vcvt.s32.f32 v34  }
0xaf: {  	v36 =	vadd.s32 v57, v56;
	v37 =	vld.idx.msk [tilespmem:v58+s6+$0x0], $0xffff;
	v33 =	vadd.s32 v35, v56;
	v31 =	vadd.s32 v59, v31  }
0xb0: {  	v60 =	vadd.s32 v59, v32;
	v35 =	vcvt.s32.f32 v35;
	v61 =	vsub.f32 v18, v22;
	v41 =	vld.idx.msk [tilespmem:v15+s6+$0x0], $0xffff  }
0xb1: {  	v32 =	vadd.s32 v25, v32;
	v25 =	vcvt.s32.f32 v25;
	v22 =	vcvt.s32.f32 v26;
	v23 =	vld.idx.msk [tilespmem:v23+s6+$0x0], $0xffff  }
0xb2: {  	v18 =	vcvt.s32.f32 v29;
	v17 =	vsub.f32 v17, v35;
	v29 =	vsub.f32 $1.000000000e+00, v61;
	v28 =	vld.idx.msk [tilespmem:v28+s6+$0x0], $0xffff  }
0xb3: {  	s21 =	simm.s32 $0xE0A0;
	v40 =	vld.idx.msk [tilespmem:v40+s6+$0x0], $0xffff;
	v62 =	vsub.f32 v20, v22;
	v15 =	vsub.f32 v21, v25;
	v21 =	vcvt.s32.f32 v30  }
0xb4: {  	[tilespmem:s21+$0x10] =	vst v12;
	vm0 =	vmor vm0, vm1;
	v26 =	vld.idx.msk [tilespmem:v31+s6+$0x0], $0xffff;
	v22 =	vsub.f32 $1.000000000e+00, v17;
	v25 =	vsub.f32 v19, v18  }
0xb5: {  	v63 =	vld.idx.msk [tilespmem:v39+s6+$0x0], $0xffff;
	v19 =	vsub.f32 v16, v21;
	v16 =	vmul.f32 v29, v37;
	v31 =	vmul.f32 v61, v41  }
0xb6: {  	[tilespmem:s21+$0xFFFFFFE0] =	vst v14;
	vm1 =	vmor vm2, vm3;
	vm2 =	vgt.s32 v4, v13;
	v12 =	vld.idx.msk [tilespmem:v27+s6+$0x0], $0xffff;
	v20 =	vsub.f32 $1.000000000e+00, v15  }
0xb7: {  	s20 =	simm.s32 $0xE0E0;
	v28 =	vmul.f32 v17, v28;
	v27 =	vadd.f32 v16, v31;
	v31 =	vmul.f32 v22, v23;
	v23 =	vld.idx.msk [tilespmem:v33+s6+$0x0], $0xffff  }
0xb8: {  	vm3 =	vle.s32 v6, v13;
	[tilespmem:s20+$0x10] =	vst v24;
	v24 =	vld.idx.msk [tilespmem:v36+s6+$0x0], $0xffff;
	v21 =	vsub.f32 $1.000000000e+00, v25;
	v30 =	vmul.f32 v20, v40  }
0xb9: {  	v14 =	vmul.f32 v27, v25;
	v27 =	vadd.f32 v31, v28;
	v31 =	vmul.f32 v15, v26;
	v25 =	vld.idx.msk [tilespmem:v32+s6+$0x0], $0xffff  }
0xba: {  	v13 =	vld.idx.msk [tilespmem:v60+s6+$0x0], $0xffff;
	v18 =	vsub.f32 $1.000000000e+00, v62;
	v16 =	vsub.f32 $1.000000000e+00, v19;
	v26 =	vmul.f32 v29, v63  }
0xbb: {  	s24 =	simm.s32 $0x4;
	s25 =	simm.s32 $0xB120;
	v28 =	vmul.f32 v61, v12;
	v12 =	vmul.f32 v27, v62;
	v27 =	vadd.f32 v30, v31  }
.LBB2_5:
0xbc: {  	s24 =	sadd.s32 $0x4, s24;
	v29 =	vld [tilespmem:s25+$0x10];
	v22 =	vmul.f32 v22, v23;
	vm0 =	vmor vm0, vm1;
	vm1 =	vmor vm2, vm3;
	s16 =	sadd.s32 $0x40, s16  }
0xbd: {  	v17 =	vmul.f32 v17, v24;
	s0 =	sshrl.u32 s24, $0x5;
	v23 =	vld [tilespmem:s16+$0x10];
	v26 =	vadd.f32 v26, v28;
	v19 =	vmul.f32 v27, v19  }
0xbe: {  	s10 =	sadd.s32 $0x40, s10;
	v9 =	vadd.f32 v7, v9;
	v11 =	vadd.f32 v8, v11;
	p1 =	slt.u32 s24, $0xFC;
	v20 =	vmul.f32 v20, v25;
	v7 =	vmovc v12;
	v24 =	vld [tilespmem:s25+$0xFFFFFFE0];
	s0 =	sadd.s32 s0, s4  }
0xbf: {  	s26 =	sadd.s32 $0x10, s10;
	s28 =	sadd.s32 $0x30, s10;
	v17 =	vadd.f32 v22, v17;
	v13 =	vmul.f32 v15, v13;
	s0 =	scvt.s32.f32 s0;
	v12 =	vld [tilespmem:s25+$0xFFFFFFF0];
	v21 =	vmul.f32 v26, v21;
	v8 =	vmovc v19  }
0xc0: {  	v5 =	vor.u32 v10, v5;
	s30 =	sadd.s32 $0x20, s10;
	vm0 =	vmor vm0, vm1;
	s26 =	sand.u32 $0x1D0, s26;
	s28 =	sand.u32 $0x1F0, s28;
	v15 =	vld [tilespmem:s25+$0x0];
	[tilespmem:s21+$0xFFFFFFF0] =	vst v9  }
0xc1: {  	s17 =	sand.u32 $0x1C0, s10;
	s30 =	sand.u32 $0x1E0, s30;
	s28 =	sor.u32 $0x1, s28;
	v9 =	vmul.f32 v17, v18;
	v13 =	vadd.f32 v20, v13;
	v19 =	vld [tilespmem:s16+$0xFFFFFFE0];
	v22 =	vadd.f32 s0, v29;
	[tilespmem:s21+$0x0] =	vst v11  }
0xc2: {  	v10 =	vsel vm0, $0x1, v3;
	s28 =	scvt.s32.f32 s28;
	s21 =	sor.u32 $0x1, s26;
	s26 =	sor.u32 $0x1, s30;
	v14 =	vadd.f32 v14, v21;
	v17 =	vld [tilespmem:s16+$0xFFFFFFF0];
	v18 =	vadd.f32 v2, v23  }
0xc3: {  	s17 =	sor.u32 $0x1, s17;
	s30 =	scvt.s32.f32 s21;
	s26 =	scvt.s32.f32 s26;
	v11 =	vmul.f32 v13, v16;
	v20 =	vadd.f32 s0, v24;
	v21 =	vld [tilespmem:s16+$0x0];
	v22 =	vmax.f32 v22, $0.0e+00  }
0xc4: {  	s17 =	scvt.s32.f32 s17;
	s21 =	smov.u32 s20;
	v13 =	vadd.f32 s0, v12;
	v12 =	vadd.f32 s28, v18;
	v16 =	vmin.f32 v22, $5.130000000e+02;
	[tilespmem:s20+$0xFFFFFFE0] =	vst v14  }
0xc5: {  	v14 =	vmax.f32 v20, $0.0e+00;
	v15 =	vadd.f32 s0, v15;
	v18 =	vtrunc.f32 v16  }
0xc6: {  	v19 =	vadd.f32 v2, v19;
	v20 =	vmax.f32 v12, $0.0e+00;
	v12 =	vcvt.f32.s32 v18  }
0xc7: {  	v13 =	vmax.f32 v13, $0.0e+00;
	v17 =	vadd.f32 v2, v17;
	v18 =	vmin.f32 v20, $5.130000000e+02  }
0xc8: {  	v20 =	vadd.f32 v2, v21;
	v21 =	vtrunc.f32 v18;
	v22 =	vand.u32 $0x3F, v12  }
0xc9: {  	v23 =	vadd.s32 $0x1, v12;
	v21 =	vcvt.f32.s32 v21;
	v22 =	vmul.u32 $0x280, v22  }
0xca: {  	v14 =	vmin.f32 v14, $5.130000000e+02;
	v15 =	vmax.f32 v15, $0.0e+00;
	v23 =	vand.u32 $0x3F, v23  }
0xcb: {  	v23 =	vmul.u32 $0x280, v23;
	v24 =	vadd.s32 $0x1, v21;
	v25 =	vadd.s32 v21, v22  }
0xcc: {  	v13 =	vmin.f32 v13, $5.130000000e+02;
	v26 =	vmin.f32 v15, $5.130000000e+02;
	v15 =	vadd.s32 v24, v22  }
0xcd: {  	v19 =	vadd.f32 s17, v19;
	v17 =	vadd.f32 s30, v17;
	v22 =	vadd.s32 v21, v23  }
0xce: {  	v27 =	vtrunc.f32 v14;
	v20 =	vadd.f32 s26, v20;
	v23 =	vadd.s32 v24, v23  }
0xcf: {  	v28 =	vtrunc.f32 v26;
	v19 =	vmax.f32 v19, $0.0e+00;
	v24 =	vtrunc.f32 v13  }
0xd0: {  	v27 =	vcvt.f32.s32 v27;
	v17 =	vmax.f32 v17, $0.0e+00;
	v24 =	vcvt.f32.s32 v24;
	v25 =	vld.idx.msk [tilespmem:v25+s6+$0x0], $0xffff  }
0xd1: {  	v28 =	vcvt.f32.s32 v28;
	v19 =	vmin.f32 v19, $5.130000000e+02;
	v20 =	vmax.f32 v20, $0.0e+00;
	v15 =	vld.idx.msk [tilespmem:v15+s6+$0x0], $0xffff  }
0xd2: {  	v17 =	vmin.f32 v17, $5.130000000e+02;
	v21 =	vcvt.s32.f32 v21;
	v20 =	vmin.f32 v20, $5.130000000e+02;
	v22 =	vld.idx.msk [tilespmem:v22+s6+$0x0], $0xffff  }
0xd3: {  	v29 =	vadd.s32 $0x1, v27;
	v31 =	vadd.s32 $0x1, v28;
	v30 =	vadd.s32 $0x1, v24;
	v23 =	vld.idx.msk [tilespmem:v23+s6+$0x0], $0xffff  }
0xd4: {  	v32 =	vtrunc.f32 v19;
	v33 =	vtrunc.f32 v17;
	v18 =	vsub.f32 v18, v21  }
0xd5: {  	v21 =	vand.u32 $0x3F, v29;
	v29 =	vand.u32 $0x3F, v30;
	v30 =	vtrunc.f32 v20  }
0xd6: {  	v34 =	vcvt.s32.f32 v12;
	v31 =	vand.u32 $0x3F, v31;
	v35 =	vsub.f32 $1.000000000e+00, v18  }
0xd7: {  	v36 =	vand.u32 $0x3F, v27;
	v32 =	vcvt.f32.s32 v32;
	v33 =	vcvt.f32.s32 v33  }
0xd8: {  	v16 =	vsub.f32 v16, v34;
	v25 =	vmul.f32 v35, v25;
	v15 =	vmul.f32 v18, v15  }
0xd9: {  	v34 =	vand.u32 $0x3F, v24;
	v22 =	vmul.f32 v35, v22;
	v18 =	vmul.f32 v18, v23  }
0xda: {  	v35 =	vsub.f32 $1.000000000e+00, v16;
	v23 =	vcvt.f32.s32 v30;
	v30 =	vand.u32 $0x3F, v28  }
0xdb: {  	v21 =	vmul.u32 $0x280, v21;
	v15 =	vadd.f32 v25, v15;
	v18 =	vadd.f32 v22, v18  }
0xdc: {  	v25 =	vmul.u32 $0x280, v29;
	v29 =	vmul.u32 $0x280, v31;
	v22 =	vmul.u32 $0x280, v36  }
0xdd: {  	v31 =	vmul.u32 $0x280, v34;
	v15 =	vmul.f32 v15, v35;
	v16 =	vmul.f32 v18, v16  }
0xde: {  	v34 =	vadd.s32 $0x1, v33;
	v30 =	vmul.u32 $0x280, v30;
	v18 =	vadd.s32 $0x1, v32  }
0xdf: {  	v35 =	vadd.s32 v32, v21;
	v36 =	vadd.s32 $0x1, v23;
	v15 =	vadd.f32 v16, v15  }
0xe0: {  	s20 =	sadd.s32 $0x40, s20;
	v16 =	vadd.s32 v18, v21;
	v21 =	vadd.s32 v33, v25;
	v25 =	vadd.s32 v34, v25  }
0xe1: {  	v38 =	vadd.s32 v23, v29;
	v29 =	vadd.s32 v36, v29;
	v37 =	vadd.s32 v32, v22;
	[tilespmem:s20+$0x10] =	vst v15  }
0xe2: {  	v39 =	vadd.s32 v33, v31;
	v31 =	vadd.s32 v34, v31;
	v18 =	vadd.s32 v18, v22  }
0xe3: {  	v15 =	vcvt.s32.f32 v32;
	v32 =	vadd.s32 v23, v30;
	v30 =	vadd.s32 v36, v30  }
0xe4: {  	vm0 =	vgt.s32 v4, v27;
	v22 =	vcvt.s32.f32 v33;
	v23 =	vcvt.s32.f32 v23;
	v34 =	vld.idx.msk [tilespmem:v35+s6+$0x0], $0xffff  }
0xe5: {  	v33 =	vsub.f32 v19, v15;
	v19 =	vcvt.s32.f32 v27;
	v35 =	vcvt.s32.f32 v24;
	v16 =	vld.idx.msk [tilespmem:v16+s6+$0x0], $0xffff  }
0xe6: {  	v17 =	vsub.f32 v17, v22;
	v15 =	vsub.f32 v20, v23;
	v36 =	vld.idx.msk [tilespmem:v21+s6+$0x0], $0xffff;
	v21 =	vcvt.s32.f32 v28  }
0xe7: {  	vm1 =	vle.s32 v6, v27;
	v14 =	vsub.f32 v14, v19;
	v27 =	vsub.f32 $1.000000000e+00, v33;
	v25 =	vld.idx.msk [tilespmem:v25+s6+$0x0], $0xffff  }
0xe8: {  	vm2 =	vgt.s32 v4, v24;
	v22 =	vsub.f32 $1.000000000e+00, v17;
	v20 =	vsub.f32 $1.000000000e+00, v15;
	v38 =	vld.idx.msk [tilespmem:v38+s6+$0x0], $0xffff  }
0xe9: {  	vm3 =	vle.s32 v6, v24;
	v35 =	vsub.f32 v13, v35;
	v19 =	vsub.f32 v26, v21;
	v26 =	vld.idx.msk [tilespmem:v29+s6+$0x0], $0xffff  }
0xea: {  	vm0 =	vmor vm0, vm1;
	v21 =	vsub.f32 $1.000000000e+00, v14;
	v13 =	vmul.f32 v27, v34;
	v29 =	vld.idx.msk [tilespmem:v37+s6+$0x0], $0xffff  }
0xeb: {  	v24 =	vmul.f32 v33, v16;
	v16 =	vsub.f32 $1.000000000e+00, v19;
	v34 =	vld.idx.msk [tilespmem:v18+s6+$0x0], $0xffff;
	v18 =	vsub.f32 $1.000000000e+00, v35  }
0xec: {  	vm1 =	vmor vm2, vm3;
	vm2 =	vgt.s32 v4, v28;
	v36 =	vmul.f32 v22, v36;
	v23 =	vld.idx.msk [tilespmem:v39+s6+$0x0], $0xffff  }
.Ltmp5:
0xed: {  	vm3 =	vle.s32 v6, v28;
	v13 =	vadd.f32 v13, v24;
	v24 =	vld.idx.msk [tilespmem:v31+s6+$0x0], $0xffff;
	v31 =	vmul.f32 v17, v25;
	(pc) =	sbr.rel @p1 .LBB2_5-.Ltmp5, $4  }
0xee: {  	vm0 =	vmor vm0, vm1;
	vm1 =	vmor vm2, vm3;
	v25 =	vld.idx.msk [tilespmem:v32+s6+$0x0], $0xffff;
	v32 =	vmul.f32 v20, v38  }
0xef: {  	v14 =	vmul.f32 v13, v14;
	v31 =	vadd.f32 v36, v31;
	v13 =	vld.idx.msk [tilespmem:v30+s6+$0x0], $0xffff;
	v30 =	vmul.f32 v15, v26  }
0xf0: {  	vm2 =	vgt.s32 v4, v12;
	vm3 =	vle.s32 v6, v12;
	v26 =	vmul.f32 v27, v29  }
0xf1: {  	s25 =	sadd.s32 $0x40, s25;
	v28 =	vmul.f32 v33, v34;
	v12 =	vmul.f32 v31, v35;
	v27 =	vadd.f32 v32, v30  }
0xf2: {  	vm0 =	vmor vm0, vm1;
	vm15 =	vmor vm2, vm3  }
0xf3: {  	vm0 =	vmor vm0, vm15  }
0xf4: {  	v4 =	vor.u32 v10, v5;
	v5 =	vsel vm0, $0x1, v3  }
0xf5: {  	v4 =	vor.u32 v5, v4  }
0xf6: {  	v4 =	vxor.u32 $0x80000000, v4  }
0xf7: {  	(xrf0) =	vmax.scan.msk.u32 $0xffff, v4;
	_ =	sdelay $0x5  }
0xf8: {  	v4, _, _ =	vpop (xrf0)  }
0xf9: {  	(v2sf) =	vpush v4, $0xF;
	_ =	sdelay $0xb  }
0xfa: {  	v5 =	vmul.f32 v17, v24;
	v4 =	vmul.f32 v22, v23  }
0xfb: {  	v6 =	vadd.f32 v26, v28;
	v60 =	vmul.f32 v20, v25;
	v13 =	vmul.f32 v15, v13  }
0xfc: {  	v4 =	vadd.f32 v4, v5  }
0xfd: {  	v6 =	vmul.f32 v6, v21;
	v61 =	vadd.f32 v60, v13;
	v5 =	vadd.f32 v7, v9;
	s0 =	spop (v2sf)  }
0xfe: {  	v8 =	vadd.f32 v8, v11;
	v4 =	vmul.f32 v4, v18;
	p1 =	slt.u32 s0, $0x80000001  }
.Ltmp6:
0xff: {  	v62 =	vmul.f32 v27, v19;
	v63 =	vmul.f32 v61, v16;
	[tilespmem:s21+$0xFFFFFFF0] =	vst v5;
	v5 =	vadd.f32 v14, v6;
	(pc) =	sbr.rel @p1 .LBB2_12-.Ltmp6, $4  }
0x100: {  	[tilespmem:s21+$0x0] =	vst v8;
	v4 =	vadd.f32 v12, v4  }
0x101: {  	[tilespmem:s20+$0xFFFFFFE0] =	vst v5;
	v5 =	vadd.f32 v62, v63  }
0x102: {  	[tilespmem:s20+$0xFFFFFFF0] =	vst v4  }
0x103: {  	[tilespmem:s20+$0x0] =	vst v5  }
0x104: {  	s10 =	simm.s32 $0xB080  }
0x105: {  	s16 =	simm.s32 $0xA080;
	v4 =	vld [tilespmem:s10+$0x0]  }
0x106: {  	v5 =	vld [tilespmem:s16+$0x0]  }
0x107: {  	s0 =	sadd.s32 $0x0, s4  }
0x108: {  	s20 =	simm.s32 $0x0;
	s0 =	scvt.s32.f32 s0  }
0x109: {  	s17 =	sand.u32 $0x1F0, s20  }
0x10a: {  	s17 =	sor.u32 $0x1, s17;
	v4 =	vadd.f32 s0, v4  }
0x10b: {  	s25 =	scvt.s32.f32 s17;
	v5 =	vadd.f32 v2, v5  }
0x10c: {  	v4 =	vmax.f32 v4, $0.0e+00  }
0x10d: {  	v5 =	vadd.f32 s25, v5;
	v4 =	vmin.f32 v4, $5.130000000e+02  }
0x10e: {  	v4 =	vtrunc.f32 v4  }
0x10f: {  	v5 =	vmax.f32 v5, $0.0e+00;
	v4 =	vcvt.f32.s32 v4  }
0x110: {  	v5 =	vmin.f32 v5, $5.130000000e+02  }
0x111: {  	v5 =	vtrunc.f32 v5;
	v4 =	vmul.u32 $0x280, v4  }
0x112: {  	v5 =	vcvt.f32.s32 v5  }
0x113: {  	v4 =	vadd.s32 v0, v4  }
0x114: {  	s26 =	simm.s32 $0x10080;
	v4 =	vadd.s32 v5, v4  }
0x115: {  	s30 =	simm.s32 $0x11080;
	s24 =	simm.s32 $0x12080;
	[tilespmem:s26+$0x0] =	vst v4;
	v5 =	vadd.s32 $0x1, v4  }
0x116: {  	s28 =	simm.s32 $0x13080;
	s21 =	simm.s32 $0x13090;
	s0 =	simm.s32 $0x1;
	[tilespmem:s30+$0x0] =	vst v5;
	v5 =	vadd.s32 $0x280, v4  }
0x117: {  	s25 =	simm.s32 $0x11090;
	s26 =	simm.s32 $0x12090;
	v4 =	vadd.s32 $0x281, v4;
	[tilespmem:s24+$0x0] =	vst v5;
	s24 =	simm.s32 $0x10090  }
.LBB2_8:
0x118: {  	[tilespmem:s28+$0x0] =	vst v4;
	s20 =	sadd.s32 $0x10, s20;
	s16 =	sadd.s32 $0x10, s16;
	s10 =	sadd.s32 $0x10, s10  }
0x119: {  	p1 =	sne.s32 s0, $0xFF;
	s17 =	smov.u32 s0;
	s0 =	sadd.s32 $0x1, s0;
	v4 =	vld [tilespmem:s10+$0x0]  }
0x11a: {  	s28 =	smov.u32 s21;
	s17 =	sshrl.u32 s17, $0x5;
	v5 =	vld [tilespmem:s16+$0x0]  }
0x11b: {  	s17 =	sadd.s32 s17, s4  }
0x11c: {  	s17 =	scvt.s32.f32 s17  }
0x11d: {  	s30 =	sand.u32 $0x1F0, s20  }
0x11e: {  	s30 =	sor.u32 $0x1, s30;
	v4 =	vadd.f32 s17, v4  }
0x11f: {  	s17 =	scvt.s32.f32 s30;
	v5 =	vadd.f32 v2, v5  }
0x120: {  	v4 =	vmax.f32 v4, $0.0e+00  }
0x121: {  	v5 =	vadd.f32 s17, v5;
	v4 =	vmin.f32 v4, $5.130000000e+02  }
0x122: {  	v4 =	vtrunc.f32 v4  }
0x123: {  	v5 =	vmax.f32 v5, $0.0e+00;
	v4 =	vcvt.f32.s32 v4  }
0x124: {  	v5 =	vmin.f32 v5, $5.130000000e+02  }
0x125: {  	v5 =	vtrunc.f32 v5;
	v4 =	vmul.u32 $0x280, v4  }
0x126: {  	v5 =	vcvt.f32.s32 v5  }
.Ltmp7:
0x127: {  	v4 =	vadd.s32 v0, v4;
	(pc) =	sbr.rel @p1 .LBB2_8-.Ltmp7, $4  }
0x128: {  	v4 =	vadd.s32 v5, v4  }
0x129: {  	[tilespmem:s24+$0x0] =	vst v4;
	v5 =	vadd.s32 $0x1, v4  }
0x12a: {  	s21 =	sadd.s32 $0x10, s21;
	[tilespmem:s25+$0x0] =	vst v5;
	v5 =	vadd.s32 $0x280, v4  }
0x12b: {  	s24 =	sadd.s32 $0x10, s24;
	v4 =	vadd.s32 $0x281, v4;
	s25 =	sadd.s32 $0x10, s25;
	[tilespmem:s26+$0x0] =	vst v5;
	s26 =	sadd.s32 $0x10, s26  }
0x12c: {  	[tilespmem:s28+$0x0] =	vst v4;
	s21 =	simm.s32 $0x14080;
	s0 =	simm.s32 $0x10080  }
0x12d: {  	[tilespmem:s21], [sflag:$0x6] =	stream.indirect.gather [hbm4b:s1+s23], $0x1, s0, s23, $0xb8;
	[tilespmem:$0x18080] =	vst v63  }
0x12e: {  	s16 =	simm.s32 $0x15080;
	s24 =	simm.s32 $0x11080  }
0x12f: {  	[tilespmem:s16], [sflag:$0x6] =	stream.indirect.gather [hbm4b:s1+s23], $0x1, s24, s23, $0xb8;
	[tilespmem:$0x18080] =	vst v63  }
0x130: {  	s10 =	simm.s32 $0x16080;
	s25 =	simm.s32 $0x12080  }
0x131: {  	[tilespmem:s10], [sflag:$0x6] =	stream.indirect.gather [hbm4b:s1+s23], $0x1, s25, s23, $0xb8;
	[tilespmem:$0x18080] =	vst v63  }
0x132: {  	s20 =	simm.s32 $0x17080;
	s26 =	simm.s32 $0x13080  }
0x133: {  	[tilespmem:s20], [sflag:$0x6] =	stream.indirect.gather [hbm4b:s1+s23], $0x1, s26, s23, $0xb8;
	[tilespmem:$0x18080] =	vst v63  }
0x134: {  	_ =	swait.ge [sflag:s29], $0x1000  }
0x135: {  	[sflag:s29] =	ssyncset.done $0x0  }
0x136: {  	[sflag:s29] =	ssyncadd.s32 $0xFFFFF000  }
0x137: {  	_ =	swait.ge [sflag:s29], $0x1000  }
0x138: {  	[sflag:s29] =	ssyncset.done $0x0  }
0x139: {  	[sflag:s29] =	ssyncadd.s32 $0xFFFFF000  }
0x13a: {  	_ =	swait.ge [sflag:s29], $0x1000  }
0x13b: {  	[sflag:s29] =	ssyncset.done $0x0  }
0x13c: {  	[sflag:s29] =	ssyncadd.s32 $0xFFFFF000  }
0x13d: {  	_ =	swait.ge [sflag:s29], $0x1000  }
0x13e: {  	[sflag:s29] =	ssyncset.done $0x0  }
0x13f: {  	s17 =	simm.s32 $0xA080;
	[sflag:s29] =	ssyncadd.s32 $0xFFFFF000  }
0x140: {  	v4 =	vld [tilespmem:s17+$0x0];
	_ =	sdelay $0x1  }
0x141: {  	s26 =	simm.s32 $0x0  }
0x142: {  	s18 =	sand.u32 $0x1F0, s26  }
0x143: {  	s25 =	simm.s32 $0xB080;
	s0 =	sor.u32 $0x1, s18  }
0x144: {  	s0 =	scvt.s32.f32 s0;
	v5 =	vld [tilespmem:s25+$0x0];
	v4 =	vadd.f32 v2, v4;
	_ =	sdelay $0x1  }
0x145: {  	s17 =	sadd.s32 $0x0, s4;
	v4 =	vadd.f32 s0, v4  }
0x146: {  	s24 =	scvt.s32.f32 s17  }
0x147: {  	v4 =	vmax.f32 v4, $0.0e+00  }
0x148: {  	v5 =	vadd.f32 s24, v5;
	v4 =	vmin.f32 v4, $5.130000000e+02  }
0x149: {  	v6 =	vtrunc.f32 v4  }
0x14a: {  	v7 =	vld [tilespmem:s21+$0x0];
	v5 =	vmax.f32 v5, $0.0e+00;
	v6 =	vcvt.f32.s32 v6  }
0x14b: {  	v8 =	vld [tilespmem:s16+$0x0];
	v5 =	vmin.f32 v5, $5.130000000e+02  }
0x14c: {  	v10 =	vld [tilespmem:s20+$0x0];
	v9 =	vtrunc.f32 v5;
	v6 =	vcvt.s32.f32 v6  }
0x14d: {  	v11 =	vld [tilespmem:s10+$0x0];
	v9 =	vcvt.f32.s32 v9  }
0x14e: {  	v4 =	vsub.f32 v4, v6  }
0x14f: {  	v6 =	vcvt.s32.f32 v9  }
0x150: {  	v61 =	vsub.f32 $1.000000000e+00, v4  }
0x151: {  	v5 =	vsub.f32 v5, v6;
	v6 =	vmul.f32 v4, v8;
	v4 =	vmul.f32 v4, v10  }
0x152: {  	v7 =	vmul.f32 v61, v7;
	v62 =	vmul.f32 v61, v11  }
0x153: {  	v63 =	vsub.f32 $1.000000000e+00, v5  }
0x154: {  	v6 =	vadd.f32 v7, v6;
	v4 =	vadd.f32 v62, v4;
	_ =	sdelay $0x1  }
0x155: {  	v6 =	vmul.f32 v6, v63;
	v4 =	vmul.f32 v4, v5;
	_ =	sdelay $0x1  }
0x156: {  	v4 =	vadd.f32 v4, v6  }
0x157: {  	s24 =	simm.s32 $0xE080  }
0x158: {  	s30 =	simm.s32 $0xA090;
	[tilespmem:s24+$0x0] =	vst v4  }
0x159: {  	s28 =	simm.s32 $0x1;
	s0 =	simm.s32 $0x2;
	v4 =	vld [tilespmem:s30+$0x0]  }
.LBB2_10:
0x15a: {  	p1 =	sne.s32 s0, $0xFF  }
0x15b: {  	s26 =	sadd.s32 $0x10, s26  }
0x15c: {  	s17 =	sand.u32 $0x1F0, s26  }
0x15d: {  	s25 =	sadd.s32 $0x10, s25;
	s17 =	sor.u32 $0x1, s17  }
0x15e: {  	s17 =	scvt.s32.f32 s17;
	v5 =	vld [tilespmem:s25+$0x0];
	v4 =	vadd.f32 v2, v4  }
0x15f: {  	s18 =	sshrl.u32 s28, $0x5;
	s28 =	smov.u32 s0  }
0x160: {  	s18 =	sadd.s32 s18, s4;
	v4 =	vadd.f32 s17, v4  }
0x161: {  	s17 =	scvt.s32.f32 s18  }
0x162: {  	v4 =	vmax.f32 v4, $0.0e+00  }
0x163: {  	v5 =	vadd.f32 s17, v5;
	v4 =	vmin.f32 v4, $5.130000000e+02  }
0x164: {  	s21 =	sadd.s32 $0x10, s21;
	v6 =	vtrunc.f32 v4  }
0x165: {  	s16 =	sadd.s32 $0x10, s16;
	v5 =	vmax.f32 v5, $0.0e+00;
	v6 =	vcvt.f32.s32 v6;
	v7 =	vld [tilespmem:s21+$0x0]  }
0x166: {  	s20 =	sadd.s32 $0x10, s20;
	v5 =	vmin.f32 v5, $5.130000000e+02;
	v8 =	vld [tilespmem:s16+$0x0]  }
0x167: {  	s10 =	sadd.s32 $0x10, s10;
	v9 =	vtrunc.f32 v5;
	v6 =	vcvt.s32.f32 v6;
	v10 =	vld [tilespmem:s20+$0x0]  }
0x168: {  	v9 =	vcvt.f32.s32 v9;
	v11 =	vld [tilespmem:s10+$0x0]  }
0x169: {  	v4 =	vsub.f32 v4, v6  }
0x16a: {  	v6 =	vcvt.s32.f32 v9  }
0x16b: {  	v9 =	vsub.f32 $1.000000000e+00, v4  }
0x16c: {  	v5 =	vsub.f32 v5, v6;
	v6 =	vmul.f32 v4, v8;
	v4 =	vmul.f32 v4, v10  }
0x16d: {  	v7 =	vmul.f32 v9, v7;
	v8 =	vmul.f32 v9, v11  }
0x16e: {  	v9 =	vsub.f32 $1.000000000e+00, v5  }
0x16f: {  	v6 =	vadd.f32 v7, v6;
	v4 =	vadd.f32 v8, v4;
	_ =	sdelay $0x1  }
0x170: {  	v6 =	vmul.f32 v6, v9;
	v4 =	vmul.f32 v4, v5  }
.Ltmp8:
0x171: {  	(pc) =	sbr.rel @p1 .LBB2_10-.Ltmp8, $4  }
0x172: {  	v4 =	vadd.f32 v4, v6  }
0x173: {  	s24 =	sadd.s32 $0x10, s24  }
0x174: {  	s30 =	sadd.s32 $0x10, s30;
	[tilespmem:s24+$0x0] =	vst v4  }
0x175: {  	s0 =	sadd.s32 $0x1, s0;
	v4 =	vld [tilespmem:s30+$0x0]  }
0x176: {  	_ = 	snop  }
0x177: {  	s0 =	sadd.s32 $0x10, s26  }
0x178: {  	s0 =	sand.u32 $0x1F0, s0  }
0x179: {  	s17 =	sadd.s32 $0x10, s25;
	s0 =	sor.u32 $0x1, s0  }
0x17a: {  	v5 =	vld [tilespmem:s17+$0x0];
	s0 =	scvt.s32.f32 s0;
	v4 =	vadd.f32 v2, v4  }
0x17b: {  	s30 =	sshrl.u32 s28, $0x5  }
0x17c: {  	s4 =	sadd.s32 s30, s4;
	v4 =	vadd.f32 s0, v4  }
0x17d: {  	s18 =	scvt.s32.f32 s4  }
0x17e: {  	v4 =	vmax.f32 v4, $0.0e+00  }
0x17f: {  	v5 =	vadd.f32 s18, v5;
	v4 =	vmin.f32 v4, $5.130000000e+02  }
0x180: {  	s21 =	sadd.s32 $0x10, s21;
	v6 =	vtrunc.f32 v4  }
0x181: {  	s25 =	sadd.s32 $0x10, s16;
	v7 =	vld [tilespmem:s21+$0x0];
	v5 =	vmax.f32 v5, $0.0e+00;
	v6 =	vcvt.f32.s32 v6  }
0x182: {  	s26 =	sadd.s32 $0x10, s20;
	v8 =	vld [tilespmem:s25+$0x0];
	v5 =	vmin.f32 v5, $5.130000000e+02  }
0x183: {  	s28 =	sadd.s32 $0x10, s10;
	v10 =	vld [tilespmem:s26+$0x0];
	v9 =	vtrunc.f32 v5;
	v6 =	vcvt.s32.f32 v6  }
0x184: {  	v11 =	vld [tilespmem:s28+$0x0];
	v9 =	vcvt.f32.s32 v9  }
0x185: {  	v4 =	vsub.f32 v4, v6  }
0x186: {  	v59 =	vcvt.s32.f32 v9  }
0x187: {  	v60 =	vsub.f32 $1.000000000e+00, v4  }
0x188: {  	v5 =	vsub.f32 v5, v59;
	v61 =	vmul.f32 v4, v8;
	v4 =	vmul.f32 v4, v10  }
0x189: {  	v7 =	vmul.f32 v60, v7;
	v62 =	vmul.f32 v60, v11  }
0x18a: {  	v63 =	vsub.f32 $1.000000000e+00, v5  }
0x18b: {  	v6 =	vadd.f32 v7, v61;
	v4 =	vadd.f32 v62, v4;
	_ =	sdelay $0x1  }
0x18c: {  	v6 =	vmul.f32 v6, v63;
	v4 =	vmul.f32 v4, v5;
	_ =	sdelay $0x1  }
0x18d: {  	v4 =	vadd.f32 v4, v6  }
0x18e: {  	s30 =	sadd.s32 $0x10, s24  }
0x18f: {  	[tilespmem:s30+$0x0] =	vst v4  }
.LBB2_12:
0x190: {  	s0 =	sshll.u32 s12, $0xD  }
0x191: {  	s0 =	sadd.s32 s9, s0  }
0x192: {  	s0 =	sshrl.u32 s0, $0x3  }
0x193: {  	s4 =	simm.s32 $0xE080;
	s0 =	sadd.s32 s5, s0  }
0x194: {  	[hbm4b:s0+s6] =	stream.linear.scatter [tilespmem:s4], [sflag:$0x3], $0x1000, $0x38;
	[tilespmem:$0x18080] =	vst v63  }
0x195: {  	_ =	swait.ge [sflag:s31], $0x1000  }
0x196: {  	s10 =	smin.u32 s15, $0x3D;
	[sflag:s31] =	ssyncset.done $0x0  }
0x197: {  	s0 =	sshll.u32 s10, $0xC;
	[sflag:s31] =	ssyncadd.s32 $0xFFFFF000  }
0x198: {  	s0 =	sadd.s32 s0, s13;
	_ =	swait.ge [sflag:s31], $0x1000  }
0x199: {  	s18 =	sadd.s32 $0x5, s15;
	s0 =	sshrl.u32 s0, $0x3;
	[sflag:s31] =	ssyncset.done $0x0  }
0x19a: {  	s10 =	simm.s32 $0xA080;
	s16 =	sadd.s32 s2, s0;
	[sflag:s31] =	ssyncadd.s32 $0xFFFFF000  }
0x19b: {  	[tilespmem:s10], [sflag:$0x1] =	stream.linear.gather [hbm4b:s16+s6], $0x1000, $0x38;
	[tilespmem:$0x18080] =	vst v63  }
0x19c: {  	s17 =	simm.s32 $0xB080;
	s20 =	smul.u32 $0x1400, s18;
	s0 =	sadd.s32 s3, s0  }
0x19d: {  	[tilespmem:s17], [sflag:$0x1] =	stream.linear.gather [hbm4b:s0+s6], $0x1000, $0x38;
	[tilespmem:$0x18080] =	vst v63  }
0x19e: {  	s0 =	sand.u32 $0x7, s18  }
0x19f: {  	s4 =	sadd.s32 s7, s20;
	_ =	swait.ge [sflag:s22], $0x1400;
	s0 =	smul.u32 $0x5000, s0  }
0x1a0: {  	s4 =	sshrl.u32 s4, $0x3;
	[sflag:s22] =	ssyncset.done $0x0  }
0x1a1: {  	s4 =	sadd.s32 s1, s4;
	[sflag:s22] =	ssyncadd.s32 $0xFFFFEC00;
	s0 =	sshrl.u32 s0, $0x2  }
0x1a2: {  	[tilespmem:s0], [sflag:$0x5] =	stream.linear.gather [hbm4b:s4+s6], $0x1400, $0x38;
	[tilespmem:$0x18080] =	vst v63  }
0x1a3: {  	s0 =	simm.s32 @!p0 $0x4  }
0x1a4: {  	_ =	swait.ge @!p0 [sflag:s0], $0x1000  }
0x1a5: {  	[sflag:s0] =	ssyncset.done @!p0 $0x0  }
0x1a6: {  	s21 =	simm.s32 $0xD0A0;
	[sflag:s0] =	ssyncadd.s32 @!p0 $0xFFFFF000  }
0x1a7: {  	s24 =	simm.s32 $0xC0A0;
	v5 =	vld [tilespmem:s21+$0x10]  }
0x1a8: {  	v6 =	vld [tilespmem:s24+$0x10]  }
0x1a9: {  	v7 =	vld [tilespmem:s21+$0xFFFFFFE0]  }
0x1aa: {  	v8 =	vld [tilespmem:s21+$0xFFFFFFF0]  }
0x1ab: {  	s25 =	sshll.u32 s8, $0x3;
	v9 =	vld [tilespmem:s21+$0x0]  }
0x1ac: {  	s8 =	sor.u32 $0x1, s25;
	v10 =	vld [tilespmem:s24+$0xFFFFFFE0]  }
0x1ad: {  	s26 =	sadd.s32 $0x0, s8;
	v12 =	vld [tilespmem:s24+$0xFFFFFFF0]  }
0x1ae: {  	s15 =	scvt.s32.f32 s26;
	v14 =	vld [tilespmem:s24+$0x0]  }
0x1af: {  	s16 =	simm.s32 $0x30  }
0x1b0: {  	s30 =	sadd.s32 $0xFFFFFFE8, s25;
	s28 =	sand.u32 $0x1F0, s16;
	v11 =	vadd.f32 s15, v5;
	v13 =	vadd.f32 v2, v6  }
0x1b1: {  	v4 =	vmov s30;
	s10 =	sadd.s32 $0x1F, s25;
	s17 =	simm.s32 $0x10;
	s0 =	sor.u32 $0x1, s28;
	v7 =	vadd.f32 s15, v7;
	v8 =	vadd.f32 s15, v8  }
0x1b2: {  	s4 =	sand.u32 $0x1D0, s17;
	s0 =	scvt.s32.f32 s0;
	v6 =	vmov s10;
	v9 =	vadd.f32 s15, v9;
	v10 =	vadd.f32 v2, v10  }
0x1b3: {  	s4 =	sor.u32 $0x1, s4;
	v12 =	vadd.f32 v2, v12;
	v14 =	vadd.f32 v2, v14;
	v11 =	vmax.f32 v11, $0.0e+00  }
0x1b4: {  	s4 =	scvt.s32.f32 s4;
	v13 =	vadd.f32 s0, v13;
	v15 =	vmax.f32 v7, $0.0e+00;
	v11 =	vmin.f32 v11, $5.130000000e+02  }
0x1b5: {  	s18 =	simm.s32 $0x20;
	v8 =	vmax.f32 v8, $0.0e+00;
	v9 =	vmax.f32 v9, $0.0e+00;
	v7 =	vtrunc.f32 v11  }
0x1b6: {  	s10 =	sand.u32 $0x1E0, s18;
	v12 =	vadd.f32 s4, v12;
	v13 =	vmax.f32 v13, $0.0e+00;
	v7 =	vcvt.f32.s32 v7  }
0x1b7: {  	s10 =	sor.u32 $0x1, s10;
	v15 =	vmin.f32 v15, $5.130000000e+02;
	v8 =	vmin.f32 v8, $5.130000000e+02;
	v13 =	vmin.f32 v13, $5.130000000e+02  }
0x1b8: {  	s10 =	scvt.s32.f32 s10;
	v9 =	vmin.f32 v9, $5.130000000e+02;
	v16 =	vtrunc.f32 v13;
	v17 =	vand.u32 $0x3F, v7  }
0x1b9: {  	v16 =	vcvt.f32.s32 v16;
	v18 =	vadd.s32 $0x1, v7;
	v17 =	vmul.u32 $0x280, v17  }
0x1ba: {  	s16 =	simm.s32 $0x0;
	v22 =	vtrunc.f32 v15;
	v14 =	vadd.f32 s10, v14;
	v18 =	vand.u32 $0x3F, v18  }
0x1bb: {  	s0 =	sand.u32 $0x1C0, s16;
	v19 =	vadd.s32 $0x1, v16;
	v18 =	vmul.u32 $0x280, v18;
	v20 =	vadd.s32 v16, v17  }
0x1bc: {  	s0 =	sor.u32 $0x1, s0;
	v23 =	vtrunc.f32 v9;
	v12 =	vmax.f32 v12, $0.0e+00;
	v17 =	vadd.s32 v19, v17  }
0x1bd: {  	s0 =	scvt.s32.f32 s0;
	v22 =	vcvt.f32.s32 v22;
	v23 =	vcvt.f32.s32 v23;
	v21 =	vadd.s32 v16, v18  }
0x1be: {  	v24 =	vmin.f32 v12, $5.130000000e+02;
	v14 =	vmax.f32 v14, $0.0e+00;
	v18 =	vadd.s32 v19, v18  }
0x1bf: {  	v10 =	vadd.f32 s0, v10;
	v14 =	vmin.f32 v14, $5.130000000e+02;
	v26 =	vadd.s32 $0x1, v23  }
0x1c0: {  	v29 =	vcvt.s32.f32 v7;
	v31 =	vand.u32 $0x3F, v22;
	v12 =	vcvt.s32.f32 v16;
	v20 =	vld.idx.msk [tilespmem:v20+s6+$0x0], $0xffff  }
0x1c1: {  	v10 =	vmax.f32 v10, $0.0e+00;
	v28 =	vtrunc.f32 v14;
	v19 =	vtrunc.f32 v8;
	v16 =	vld.idx.msk [tilespmem:v17+s6+$0x0], $0xffff  }
0x1c2: {  	v10 =	vmin.f32 v10, $5.130000000e+02;
	v12 =	vsub.f32 v13, v12;
	v19 =	vcvt.f32.s32 v19;
	v21 =	vld.idx.msk [tilespmem:v21+s6+$0x0], $0xffff  }
0x1c3: {  	v26 =	vand.u32 $0x3F, v26;
	v11 =	vsub.f32 v11, v29;
	v27 =	vtrunc.f32 v10;
	v13 =	vld.idx.msk [tilespmem:v18+s6+$0x0], $0xffff  }
0x1c4: {  	v27 =	vcvt.f32.s32 v27;
	v30 =	vsub.f32 $1.000000000e+00, v12;
	v25 =	vadd.s32 $0x1, v19  }
0x1c5: {  	v29 =	vand.u32 $0x3F, v19;
	v48 =	vcvt.s32.f32 v19;
	v18 =	vtrunc.f32 v24  }
0x1c6: {  	v17 =	vadd.s32 $0x1, v22;
	v25 =	vand.u32 $0x3F, v25;
	v18 =	vcvt.f32.s32 v18  }
0x1c7: {  	v17 =	vand.u32 $0x3F, v17;
	v20 =	vmul.f32 v30, v20;
	v16 =	vmul.f32 v12, v16  }
0x1c8: {  	v17 =	vmul.u32 $0x280, v17;
	v21 =	vmul.f32 v30, v21;
	v12 =	vmul.f32 v12, v13  }
0x1c9: {  	v13 =	vcvt.f32.s32 v28;
	v30 =	vsub.f32 $1.000000000e+00, v11;
	v16 =	vadd.f32 v20, v16  }
0x1ca: {  	v20 =	vmul.u32 $0x280, v31;
	v31 =	vadd.s32 v27, v17;
	v12 =	vadd.f32 v21, v12  }
0x1cb: {  	v21 =	vmul.u32 $0x280, v25;
	v25 =	vmul.u32 $0x280, v26;
	v26 =	vmul.u32 $0x280, v29  }
0x1cc: {  	v32 =	vadd.s32 $0x1, v13;
	v16 =	vmul.f32 v16, v30;
	v11 =	vmul.f32 v12, v11  }
0x1cd: {  	v29 =	vadd.s32 $0x1, v27;
	v33 =	vadd.s32 v13, v25;
	v25 =	vadd.s32 v32, v25  }
0x1ce: {  	v28 =	vand.u32 $0x3F, v23;
	v12 =	vadd.f32 v11, v16;
	v11 =	vadd.s32 v29, v17  }
0x1cf: {  	v28 =	vmul.u32 $0x280, v28;
	v30 =	vadd.s32 $0x1, v18;
	v16 =	vadd.s32 v18, v21  }
0x1d0: {  	v17 =	vadd.s32 v30, v21;
	v21 =	vadd.s32 v27, v20;
	v20 =	vadd.s32 v29, v20  }
0x1d1: {  	vm2 =	vgt.s32 v4, v19;
	vm3 =	vle.s32 v6, v19;
	v29 =	vadd.s32 v18, v26;
	v31 =	vld.idx.msk [tilespmem:v31+s6+$0x0], $0xffff  }
0x1d2: {  	v26 =	vadd.s32 v30, v26;
	v30 =	vadd.s32 v13, v28;
	v13 =	vcvt.s32.f32 v13;
	v19 =	vld.idx.msk [tilespmem:v25+s6+$0x0], $0xffff  }
0x1d3: {  	v27 =	vcvt.s32.f32 v27;
	v11 =	vld.idx.msk [tilespmem:v11+s6+$0x0], $0xffff  }
0x1d4: {  	v5 =	vimm.s32 $0x0;
	v13 =	vsub.f32 v14, v13;
	v14 =	vcvt.s32.f32 v23;
	v16 =	vld.idx.msk [tilespmem:v16+s6+$0x0], $0xffff  }
0x1d5: {  	vm0 =	vgt.s32 v4, v22;
	vm1 =	vle.s32 v6, v22;
	v10 =	vsub.f32 v10, v27;
	v20 =	vld.idx.msk [tilespmem:v20+s6+$0x0], $0xffff  }
0x1d6: {  	v18 =	vcvt.s32.f32 v18;
	v27 =	vcvt.s32.f32 v22;
	v9 =	vsub.f32 v9, v14;
	v14 =	vld.idx.msk [tilespmem:v21+s6+$0x0], $0xffff  }
0x1d7: {  	vm0 =	vmor vm0, vm1;
	vm1 =	vmor vm2, vm3;
	v22 =	vsub.f32 $1.000000000e+00, v10;
	v17 =	vld.idx.msk [tilespmem:v17+s6+$0x0], $0xffff  }
0x1d8: {  	vm2 =	vgt.s32 v4, v23;
	v18 =	vsub.f32 v24, v18;
	v15 =	vsub.f32 v15, v27;
	v27 =	vld.idx.msk [tilespmem:v33+s6+$0x0], $0xffff  }
0x1d9: {  	s20 =	simm.s32 $0xD0E0;
	vm3 =	vle.s32 v6, v23;
	v28 =	vadd.s32 v32, v28;
	v29 =	vld.idx.msk [tilespmem:v29+s6+$0x0], $0xffff;
	v25 =	vmul.f32 v22, v31  }
0x1da: {  	v24 =	vsub.f32 $1.000000000e+00, v18;
	v11 =	vmul.f32 v10, v11;
	v10 =	vmul.f32 v10, v20;
	v20 =	vld [tilespmem:s20+$0xFFFFFFE0]  }
0x1db: {  	v8 =	vsub.f32 v8, v48;
	vm0 =	vmor vm0, vm1;
	v14 =	vmul.f32 v22, v14;
	v22 =	vld [tilespmem:s20+$0xFFFFFFF0]  }
0x1dc: {  	v16 =	vmul.f32 v24, v16;
	v17 =	vmul.f32 v18, v17;
	v11 =	vadd.f32 v25, v11;
	v25 =	vld.idx.msk [tilespmem:v26+s6+$0x0], $0xffff  }
0x1dd: {  	vm1 =	vmor vm2, vm3;
	v49 =	vsub.f32 $1.000000000e+00, v13;
	v21 =	vsub.f32 $1.000000000e+00, v15;
	v26 =	vld.idx.msk [tilespmem:v30+s6+$0x0], $0xffff  }
0x1de: {  	s4 =	simm.s32 $0xC0E0;
	v10 =	vadd.f32 v14, v10;
	v11 =	vmul.f32 v11, v15;
	v15 =	vadd.f32 v16, v17;
	v16 =	vld.idx.msk [tilespmem:v28+s6+$0x0], $0xffff  }
0x1df: {  	vm2 =	vgt.s32 v4, v7;
	vm3 =	vle.s32 v6, v7;
	v17 =	vmul.f32 v13, v19;
	v19 =	vld [tilespmem:s4+$0x10]  }
0x1e0: {  	s21 =	sadd.s32 $0x0, s8;
	vm0 =	vmor vm0, vm1;
	v27 =	vmul.f32 v49, v27;
	v10 =	vmul.f32 v10, v21;
	v21 =	vld [tilespmem:s4+$0x0]  }
0x1e1: {  	s10 =	scvt.s32.f32 s21;
	v31 =	vsub.f32 $1.000000000e+00, v8;
	v23 =	vsub.f32 $1.000000000e+00, v9;
	v7 =	vmul.f32 v15, v8;
	v15 =	vld [tilespmem:s20+$0x10]  }
0x1e2: {  	s28 =	simm.s32 $0x60;
	v8 =	vadd.f32 v27, v17;
	v17 =	vmul.f32 v24, v29;
	v18 =	vmul.f32 v18, v25  }
0x1e3: {  	s15 =	sand.u32 $0x1E0, s28;
	vm1 =	vmor vm2, vm3;
	v20 =	vadd.f32 s10, v20;
	v22 =	vadd.f32 s10, v22  }
0x1e4: {  	s24 =	simm.s32 $0x70;
	s15 =	sor.u32 $0x1, s15;
	v14 =	vmul.f32 v49, v26;
	v17 =	vadd.f32 v17, v18;
	v13 =	vmul.f32 v13, v16;
	v16 =	vld [tilespmem:s20+$0x0]  }
0x1e5: {  	s25 =	sand.u32 $0x1F0, s24;
	s15 =	scvt.s32.f32 s15;
	vm0 =	vmor vm0, vm1;
	v18 =	vld [tilespmem:s4+$0xFFFFFFE0];
	v19 =	vadd.f32 v2, v19;
	v21 =	vadd.f32 v2, v21  }
0x1e6: {  	s0 =	sor.u32 $0x1, s25;
	v8 =	vmul.f32 v8, v9;
	v15 =	vadd.f32 s10, v15;
	v13 =	vadd.f32 v14, v13  }
0x1e7: {  	s0 =	scvt.s32.f32 s0;
	v9 =	vmul.f32 v17, v31;
	v14 =	vadd.f32 v11, v10;
	v21 =	vadd.f32 s15, v21  }
0x1e8: {  	v17 =	vld [tilespmem:s4+$0xFFFFFFF0];
	v10 =	vsel vm0, $0x1, v3;
	v15 =	vmax.f32 v15, $0.0e+00;
	v11 =	vmul.f32 v13, v23  }
0x1e9: {  	v13 =	vadd.f32 s0, v19;
	v19 =	vmax.f32 v20, $0.0e+00;
	v21 =	vmax.f32 v21, $0.0e+00  }
0x1ea: {  	v15 =	vmin.f32 v15, $5.130000000e+02;
	v16 =	vadd.f32 s10, v16;
	v18 =	vadd.f32 v2, v18  }
0x1eb: {  	v19 =	vmin.f32 v19, $5.130000000e+02;
	v21 =	vmin.f32 v21, $5.130000000e+02;
	v20 =	vtrunc.f32 v15  }
0x1ec: {  	s26 =	simm.s32 $0x50;
	v23 =	vmax.f32 v13, $0.0e+00;
	v29 =	vtrunc.f32 v19;
	v52 =	vtrunc.f32 v21  }
0x1ed: {  	s0 =	sand.u32 $0x1D0, s26;
	v13 =	vcvt.f32.s32 v20;
	v17 =	vadd.f32 v2, v17;
	v20 =	vmax.f32 v22, $0.0e+00  }
0x1ee: {  	s0 =	sor.u32 $0x1, s0;
	v22 =	vmin.f32 v23, $5.130000000e+02;
	v16 =	vmax.f32 v16, $0.0e+00;
	v29 =	vcvt.f32.s32 v29  }
0x1ef: {  	s0 =	scvt.s32.f32 s0;
	v23 =	vtrunc.f32 v22;
	v20 =	vmin.f32 v20, $5.130000000e+02;
	v24 =	vand.u32 $0x3F, v13  }
0x1f0: {  	s10 =	simm.s32 $0x40;
	v23 =	vcvt.f32.s32 v23;
	v25 =	vadd.s32 $0x1, v13;
	v24 =	vmul.u32 $0x280, v24  }
0x1f1: {  	s30 =	sand.u32 $0x1C0, s10;
	v16 =	vmin.f32 v16, $5.130000000e+02;
	v17 =	vadd.f32 s0, v17;
	v25 =	vand.u32 $0x3F, v25  }
0x1f2: {  	s16 =	sor.u32 $0x1, s30;
	v26 =	vadd.s32 $0x1, v23;
	v25 =	vmul.u32 $0x280, v25;
	v27 =	vadd.s32 v23, v24  }
0x1f3: {  	s16 =	scvt.s32.f32 s16;
	v30 =	vtrunc.f32 v16;
	v31 =	vadd.s32 $0x1, v29;
	v24 =	vadd.s32 v26, v24  }
0x1f4: {  	v36 =	vcvt.s32.f32 v13;
	vm0 =	vgt.s32 v4, v29;
	v28 =	vadd.s32 v23, v25  }
0x1f5: {  	vm1 =	vle.s32 v6, v29;
	v18 =	vadd.f32 s16, v18;
	v25 =	vadd.s32 v26, v25  }
0x1f6: {  	v38 =	vand.u32 $0x3F, v29;
	v30 =	vcvt.f32.s32 v30;
	vm0 =	vmor vm0, vm1  }
0x1f7: {  	v17 =	vmax.f32 v17, $0.0e+00;
	v15 =	vsub.f32 v15, v36;
	v18 =	vmax.f32 v18, $0.0e+00;
	v27 =	vld.idx.msk [tilespmem:v27+s6+$0x0], $0xffff  }
0x1f8: {  	v17 =	vmin.f32 v17, $5.130000000e+02;
	v51 =	vadd.s32 $0x1, v30;
	v23 =	vcvt.s32.f32 v23;
	v24 =	vld.idx.msk [tilespmem:v24+s6+$0x0], $0xffff  }
0x1f9: {  	v54 =	vand.u32 $0x3F, v30;
	v26 =	vtrunc.f32 v20;
	v18 =	vmin.f32 v18, $5.130000000e+02;
	v28 =	vld.idx.msk [tilespmem:v28+s6+$0x0], $0xffff  }
0x1fa: {  	v35 =	vtrunc.f32 v17;
	v33 =	vand.u32 $0x3F, v51;
	v22 =	vsub.f32 v22, v23;
	v25 =	vld.idx.msk [tilespmem:v25+s6+$0x0], $0xffff  }
0x1fb: {  	v55 =	vsub.f32 $1.000000000e+00, v15;
	v32 =	vmul.u32 $0x280, v54;
	v26 =	vcvt.f32.s32 v26  }
0x1fc: {  	v34 =	vtrunc.f32 v18;
	v35 =	vcvt.f32.s32 v35;
	v37 =	vsub.f32 $1.000000000e+00, v22  }
0x1fd: {  	v23 =	vand.u32 $0x3F, v31;
	v34 =	vcvt.f32.s32 v34;
	v50 =	vadd.s32 $0x1, v26  }
0x1fe: {  	v53 =	vand.u32 $0x3F, v26;
	v27 =	vmul.f32 v37, v27;
	v24 =	vmul.f32 v22, v24  }
0x1ff: {  	v23 =	vmul.u32 $0x280, v23;
	v28 =	vmul.f32 v37, v28;
	v22 =	vmul.f32 v22, v25  }
0x200: {  	v57 =	vadd.s32 $0x1, v35;
	vm2 =	vgt.s32 v4, v26;
	vm3 =	vle.s32 v6, v26  }
0x201: {  	v31 =	vand.u32 $0x3F, v50;
	v24 =	vadd.f32 v27, v24;
	v22 =	vadd.f32 v28, v22  }
0x202: {  	v56 =	vmul.u32 $0x280, v53;
	vm1 =	vmor vm2, vm3;
	vm2 =	vgt.s32 v4, v30  }
0x203: {  	v58 =	vadd.s32 v34, v23;
	v24 =	vmul.f32 v24, v55;
	v15 =	vmul.f32 v22, v15  }
0x204: {  	v25 =	vcvt.f32.s32 v52;
	v28 =	vmul.u32 $0x280, v31;
	v22 =	vadd.s32 $0x1, v34  }
0x205: {  	v27 =	vmul.u32 $0x280, v38;
	v24 =	vadd.f32 v15, v24;
	v15 =	vadd.s32 v22, v23  }
0x206: {  	vm3 =	vle.s32 v6, v30;
	v31 =	vmul.u32 $0x280, v33;
	v23 =	vadd.s32 v35, v28  }
0x207: {  	v59 =	vadd.s32 $0x1, v25;
	v39 =	vadd.s32 v34, v27;
	v28 =	vadd.s32 v57, v28  }
0x208: {  	v40 =	vadd.s32 v25, v31;
	v27 =	vadd.s32 v22, v27;
	v22 =	vcvt.s32.f32 v34  }
0x209: {  	v36 =	vadd.s32 v57, v56;
	v37 =	vld.idx.msk [tilespmem:v58+s6+$0x0], $0xffff;
	v33 =	vadd.s32 v35, v56;
	v31 =	vadd.s32 v59, v31  }
0x20a: {  	v60 =	vadd.s32 v59, v32;
	v35 =	vcvt.s32.f32 v35;
	v61 =	vsub.f32 v18, v22;
	v41 =	vld.idx.msk [tilespmem:v15+s6+$0x0], $0xffff  }
0x20b: {  	v32 =	vadd.s32 v25, v32;
	v25 =	vcvt.s32.f32 v25;
	v22 =	vcvt.s32.f32 v26;
	v23 =	vld.idx.msk [tilespmem:v23+s6+$0x0], $0xffff  }
0x20c: {  	v18 =	vcvt.s32.f32 v29;
	v17 =	vsub.f32 v17, v35;
	v29 =	vsub.f32 $1.000000000e+00, v61;
	v28 =	vld.idx.msk [tilespmem:v28+s6+$0x0], $0xffff  }
0x20d: {  	s16 =	simm.s32 $0xF0A0;
	v40 =	vld.idx.msk [tilespmem:v40+s6+$0x0], $0xffff;
	v62 =	vsub.f32 v20, v22;
	v15 =	vsub.f32 v21, v25;
	v21 =	vcvt.s32.f32 v30  }
0x20e: {  	[tilespmem:s16+$0x10] =	vst v12;
	vm0 =	vmor vm0, vm1;
	v26 =	vld.idx.msk [tilespmem:v31+s6+$0x0], $0xffff;
	v22 =	vsub.f32 $1.000000000e+00, v17;
	v25 =	vsub.f32 v19, v18  }
0x20f: {  	v63 =	vld.idx.msk [tilespmem:v39+s6+$0x0], $0xffff;
	v19 =	vsub.f32 v16, v21;
	v16 =	vmul.f32 v29, v37;
	v31 =	vmul.f32 v61, v41  }
0x210: {  	[tilespmem:s16+$0xFFFFFFE0] =	vst v14;
	vm1 =	vmor vm2, vm3;
	vm2 =	vgt.s32 v4, v13;
	v12 =	vld.idx.msk [tilespmem:v27+s6+$0x0], $0xffff;
	v20 =	vsub.f32 $1.000000000e+00, v15  }
0x211: {  	s15 =	simm.s32 $0xF0E0;
	v28 =	vmul.f32 v17, v28;
	v27 =	vadd.f32 v16, v31;
	v31 =	vmul.f32 v22, v23;
	v23 =	vld.idx.msk [tilespmem:v33+s6+$0x0], $0xffff  }
0x212: {  	vm3 =	vle.s32 v6, v13;
	[tilespmem:s15+$0x10] =	vst v24;
	v24 =	vld.idx.msk [tilespmem:v36+s6+$0x0], $0xffff;
	v21 =	vsub.f32 $1.000000000e+00, v25;
	v30 =	vmul.f32 v20, v40  }
0x213: {  	v14 =	vmul.f32 v27, v25;
	v27 =	vadd.f32 v31, v28;
	v31 =	vmul.f32 v15, v26;
	v25 =	vld.idx.msk [tilespmem:v32+s6+$0x0], $0xffff  }
0x214: {  	v13 =	vld.idx.msk [tilespmem:v60+s6+$0x0], $0xffff;
	v18 =	vsub.f32 $1.000000000e+00, v62;
	v16 =	vsub.f32 $1.000000000e+00, v19;
	v26 =	vmul.f32 v29, v63  }
0x215: {  	s21 =	simm.s32 $0xD120;
	s20 =	simm.s32 $0x4;
	v28 =	vmul.f32 v61, v12;
	v12 =	vmul.f32 v27, v62;
	v27 =	vadd.f32 v30, v31  }
.LBB2_13:
0x216: {  	s20 =	sadd.s32 $0x4, s20;
	v29 =	vld [tilespmem:s21+$0x10];
	v22 =	vmul.f32 v22, v23;
	vm0 =	vmor vm0, vm1;
	vm1 =	vmor vm2, vm3;
	s4 =	sadd.s32 $0x40, s4  }
0x217: {  	v17 =	vmul.f32 v17, v24;
	s0 =	sshrl.u32 s20, $0x5;
	v23 =	vld [tilespmem:s4+$0x10];
	v26 =	vadd.f32 v26, v28;
	v19 =	vmul.f32 v27, v19  }
0x218: {  	s10 =	sadd.s32 $0x40, s10;
	v9 =	vadd.f32 v7, v9;
	v11 =	vadd.f32 v8, v11;
	p0 =	slt.u32 s20, $0xFC;
	v20 =	vmul.f32 v20, v25;
	v7 =	vmovc v12;
	v24 =	vld [tilespmem:s21+$0xFFFFFFE0];
	s0 =	sadd.s32 s0, s8  }
0x219: {  	s17 =	sadd.s32 $0x10, s10;
	s18 =	sadd.s32 $0x30, s10;
	v17 =	vadd.f32 v22, v17;
	v13 =	vmul.f32 v15, v13;
	s0 =	scvt.s32.f32 s0;
	v12 =	vld [tilespmem:s21+$0xFFFFFFF0];
	v21 =	vmul.f32 v26, v21;
	v8 =	vmovc v19  }
0x21a: {  	v5 =	vor.u32 v10, v5;
	s24 =	sadd.s32 $0x20, s10;
	vm0 =	vmor vm0, vm1;
	s17 =	sand.u32 $0x1D0, s17;
	s18 =	sand.u32 $0x1F0, s18;
	v15 =	vld [tilespmem:s21+$0x0];
	[tilespmem:s16+$0xFFFFFFF0] =	vst v9  }
0x21b: {  	s25 =	sand.u32 $0x1C0, s10;
	s24 =	sand.u32 $0x1E0, s24;
	s18 =	sor.u32 $0x1, s18;
	v9 =	vmul.f32 v17, v18;
	v13 =	vadd.f32 v20, v13;
	v19 =	vld [tilespmem:s4+$0xFFFFFFE0];
	v22 =	vadd.f32 s0, v29;
	[tilespmem:s16+$0x0] =	vst v11  }
0x21c: {  	v10 =	vsel vm0, $0x1, v3;
	s18 =	scvt.s32.f32 s18;
	s16 =	sor.u32 $0x1, s17;
	s17 =	sor.u32 $0x1, s24;
	v14 =	vadd.f32 v14, v21;
	v17 =	vld [tilespmem:s4+$0xFFFFFFF0];
	v18 =	vadd.f32 v2, v23  }
0x21d: {  	s24 =	sor.u32 $0x1, s25;
	s25 =	scvt.s32.f32 s16;
	s17 =	scvt.s32.f32 s17;
	v11 =	vmul.f32 v13, v16;
	v20 =	vadd.f32 s0, v24;
	v21 =	vld [tilespmem:s4+$0x0];
	v22 =	vmax.f32 v22, $0.0e+00  }
0x21e: {  	s24 =	scvt.s32.f32 s24;
	s16 =	smov.u32 s15;
	v13 =	vadd.f32 s0, v12;
	v12 =	vadd.f32 s18, v18;
	v16 =	vmin.f32 v22, $5.130000000e+02;
	[tilespmem:s15+$0xFFFFFFE0] =	vst v14  }
0x21f: {  	v14 =	vmax.f32 v20, $0.0e+00;
	v15 =	vadd.f32 s0, v15;
	v18 =	vtrunc.f32 v16  }
0x220: {  	v19 =	vadd.f32 v2, v19;
	v20 =	vmax.f32 v12, $0.0e+00;
	v12 =	vcvt.f32.s32 v18  }
0x221: {  	v13 =	vmax.f32 v13, $0.0e+00;
	v17 =	vadd.f32 v2, v17;
	v18 =	vmin.f32 v20, $5.130000000e+02  }
0x222: {  	v20 =	vadd.f32 v2, v21;
	v21 =	vtrunc.f32 v18;
	v22 =	vand.u32 $0x3F, v12  }
0x223: {  	v23 =	vadd.s32 $0x1, v12;
	v21 =	vcvt.f32.s32 v21;
	v22 =	vmul.u32 $0x280, v22  }
0x224: {  	v14 =	vmin.f32 v14, $5.130000000e+02;
	v15 =	vmax.f32 v15, $0.0e+00;
	v23 =	vand.u32 $0x3F, v23  }
0x225: {  	v23 =	vmul.u32 $0x280, v23;
	v24 =	vadd.s32 $0x1, v21;
	v25 =	vadd.s32 v21, v22  }
0x226: {  	v13 =	vmin.f32 v13, $5.130000000e+02;
	v26 =	vmin.f32 v15, $5.130000000e+02;
	v15 =	vadd.s32 v24, v22  }
0x227: {  	v19 =	vadd.f32 s24, v19;
	v17 =	vadd.f32 s25, v17;
	v22 =	vadd.s32 v21, v23  }
0x228: {  	v27 =	vtrunc.f32 v14;
	v20 =	vadd.f32 s17, v20;
	v23 =	vadd.s32 v24, v23  }
0x229: {  	v28 =	vtrunc.f32 v26;
	v19 =	vmax.f32 v19, $0.0e+00;
	v24 =	vtrunc.f32 v13  }
0x22a: {  	v27 =	vcvt.f32.s32 v27;
	v17 =	vmax.f32 v17, $0.0e+00;
	v24 =	vcvt.f32.s32 v24;
	v25 =	vld.idx.msk [tilespmem:v25+s6+$0x0], $0xffff  }
0x22b: {  	v28 =	vcvt.f32.s32 v28;
	v19 =	vmin.f32 v19, $5.130000000e+02;
	v20 =	vmax.f32 v20, $0.0e+00;
	v15 =	vld.idx.msk [tilespmem:v15+s6+$0x0], $0xffff  }
0x22c: {  	v17 =	vmin.f32 v17, $5.130000000e+02;
	v21 =	vcvt.s32.f32 v21;
	v20 =	vmin.f32 v20, $5.130000000e+02;
	v22 =	vld.idx.msk [tilespmem:v22+s6+$0x0], $0xffff  }
0x22d: {  	v29 =	vadd.s32 $0x1, v27;
	v31 =	vadd.s32 $0x1, v28;
	v30 =	vadd.s32 $0x1, v24;
	v23 =	vld.idx.msk [tilespmem:v23+s6+$0x0], $0xffff  }
0x22e: {  	v32 =	vtrunc.f32 v19;
	v33 =	vtrunc.f32 v17;
	v18 =	vsub.f32 v18, v21  }
0x22f: {  	v21 =	vand.u32 $0x3F, v29;
	v29 =	vand.u32 $0x3F, v30;
	v30 =	vtrunc.f32 v20  }
0x230: {  	v34 =	vcvt.s32.f32 v12;
	v31 =	vand.u32 $0x3F, v31;
	v35 =	vsub.f32 $1.000000000e+00, v18  }
0x231: {  	v36 =	vand.u32 $0x3F, v27;
	v32 =	vcvt.f32.s32 v32;
	v33 =	vcvt.f32.s32 v33  }
0x232: {  	v16 =	vsub.f32 v16, v34;
	v25 =	vmul.f32 v35, v25;
	v15 =	vmul.f32 v18, v15  }
0x233: {  	v34 =	vand.u32 $0x3F, v24;
	v22 =	vmul.f32 v35, v22;
	v18 =	vmul.f32 v18, v23  }
0x234: {  	v35 =	vsub.f32 $1.000000000e+00, v16;
	v23 =	vcvt.f32.s32 v30;
	v30 =	vand.u32 $0x3F, v28  }
0x235: {  	v21 =	vmul.u32 $0x280, v21;
	v15 =	vadd.f32 v25, v15;
	v18 =	vadd.f32 v22, v18  }
0x236: {  	v25 =	vmul.u32 $0x280, v29;
	v29 =	vmul.u32 $0x280, v31;
	v22 =	vmul.u32 $0x280, v36  }
0x237: {  	v31 =	vmul.u32 $0x280, v34;
	v15 =	vmul.f32 v15, v35;
	v16 =	vmul.f32 v18, v16  }
0x238: {  	v34 =	vadd.s32 $0x1, v33;
	v30 =	vmul.u32 $0x280, v30;
	v18 =	vadd.s32 $0x1, v32  }
0x239: {  	v35 =	vadd.s32 v32, v21;
	v36 =	vadd.s32 $0x1, v23;
	v15 =	vadd.f32 v16, v15  }
0x23a: {  	s15 =	sadd.s32 $0x40, s15;
	v16 =	vadd.s32 v18, v21;
	v21 =	vadd.s32 v33, v25;
	v25 =	vadd.s32 v34, v25  }
0x23b: {  	v38 =	vadd.s32 v23, v29;
	v29 =	vadd.s32 v36, v29;
	v37 =	vadd.s32 v32, v22;
	[tilespmem:s15+$0x10] =	vst v15  }
0x23c: {  	v39 =	vadd.s32 v33, v31;
	v31 =	vadd.s32 v34, v31;
	v18 =	vadd.s32 v18, v22  }
0x23d: {  	v15 =	vcvt.s32.f32 v32;
	v32 =	vadd.s32 v23, v30;
	v30 =	vadd.s32 v36, v30  }
0x23e: {  	vm0 =	vgt.s32 v4, v27;
	v22 =	vcvt.s32.f32 v33;
	v23 =	vcvt.s32.f32 v23;
	v34 =	vld.idx.msk [tilespmem:v35+s6+$0x0], $0xffff  }
0x23f: {  	v33 =	vsub.f32 v19, v15;
	v19 =	vcvt.s32.f32 v27;
	v35 =	vcvt.s32.f32 v24;
	v16 =	vld.idx.msk [tilespmem:v16+s6+$0x0], $0xffff  }
0x240: {  	v17 =	vsub.f32 v17, v22;
	v15 =	vsub.f32 v20, v23;
	v36 =	vld.idx.msk [tilespmem:v21+s6+$0x0], $0xffff;
	v21 =	vcvt.s32.f32 v28  }
0x241: {  	vm1 =	vle.s32 v6, v27;
	v14 =	vsub.f32 v14, v19;
	v27 =	vsub.f32 $1.000000000e+00, v33;
	v25 =	vld.idx.msk [tilespmem:v25+s6+$0x0], $0xffff  }
0x242: {  	vm2 =	vgt.s32 v4, v24;
	v22 =	vsub.f32 $1.000000000e+00, v17;
	v20 =	vsub.f32 $1.000000000e+00, v15;
	v38 =	vld.idx.msk [tilespmem:v38+s6+$0x0], $0xffff  }
0x243: {  	vm3 =	vle.s32 v6, v24;
	v35 =	vsub.f32 v13, v35;
	v19 =	vsub.f32 v26, v21;
	v26 =	vld.idx.msk [tilespmem:v29+s6+$0x0], $0xffff  }
0x244: {  	vm0 =	vmor vm0, vm1;
	v21 =	vsub.f32 $1.000000000e+00, v14;
	v13 =	vmul.f32 v27, v34;
	v29 =	vld.idx.msk [tilespmem:v37+s6+$0x0], $0xffff  }
0x245: {  	v24 =	vmul.f32 v33, v16;
	v16 =	vsub.f32 $1.000000000e+00, v19;
	v34 =	vld.idx.msk [tilespmem:v18+s6+$0x0], $0xffff;
	v18 =	vsub.f32 $1.000000000e+00, v35  }
0x246: {  	vm1 =	vmor vm2, vm3;
	vm2 =	vgt.s32 v4, v28;
	v36 =	vmul.f32 v22, v36;
	v23 =	vld.idx.msk [tilespmem:v39+s6+$0x0], $0xffff  }
.Ltmp9:
0x247: {  	vm3 =	vle.s32 v6, v28;
	v13 =	vadd.f32 v13, v24;
	v24 =	vld.idx.msk [tilespmem:v31+s6+$0x0], $0xffff;
	v31 =	vmul.f32 v17, v25;
	(pc) =	sbr.rel @p0 .LBB2_13-.Ltmp9, $4  }
0x248: {  	vm0 =	vmor vm0, vm1;
	vm1 =	vmor vm2, vm3;
	v25 =	vld.idx.msk [tilespmem:v32+s6+$0x0], $0xffff;
	v32 =	vmul.f32 v20, v38  }
0x249: {  	v14 =	vmul.f32 v13, v14;
	v31 =	vadd.f32 v36, v31;
	v13 =	vld.idx.msk [tilespmem:v30+s6+$0x0], $0xffff;
	v30 =	vmul.f32 v15, v26  }
0x24a: {  	vm2 =	vgt.s32 v4, v12;
	vm3 =	vle.s32 v6, v12;
	v26 =	vmul.f32 v27, v29  }
0x24b: {  	s21 =	sadd.s32 $0x40, s21;
	v28 =	vmul.f32 v33, v34;
	v12 =	vmul.f32 v31, v35;
	v27 =	vadd.f32 v32, v30  }
0x24c: {  	vm0 =	vmor vm0, vm1;
	vm15 =	vmor vm2, vm3  }
0x24d: {  	vm0 =	vmor vm0, vm15  }
0x24e: {  	v4 =	vor.u32 v10, v5;
	v5 =	vsel vm0, $0x1, v3  }
0x24f: {  	v4 =	vor.u32 v5, v4  }
0x250: {  	v4 =	vxor.u32 $0x80000000, v4  }
0x251: {  	(xrf0) =	vmax.scan.msk.u32 $0xffff, v4;
	_ =	sdelay $0x5  }
0x252: {  	v4, _, _ =	vpop (xrf0)  }
0x253: {  	(v2sf) =	vpush v4, $0xF;
	_ =	sdelay $0xb  }
0x254: {  	v5 =	vmul.f32 v17, v24;
	v4 =	vmul.f32 v22, v23  }
0x255: {  	v6 =	vadd.f32 v26, v28;
	v60 =	vmul.f32 v20, v25;
	v13 =	vmul.f32 v15, v13  }
0x256: {  	v4 =	vadd.f32 v4, v5  }
0x257: {  	v6 =	vmul.f32 v6, v21;
	v61 =	vadd.f32 v60, v13;
	v5 =	vadd.f32 v7, v9;
	s0 =	spop (v2sf)  }
0x258: {  	v8 =	vadd.f32 v8, v11;
	v4 =	vmul.f32 v4, v18;
	p0 =	slt.u32 s0, $0x80000001  }
.Ltmp10:
0x259: {  	v62 =	vmul.f32 v27, v19;
	v63 =	vmul.f32 v61, v16;
	[tilespmem:s16+$0xFFFFFFF0] =	vst v5;
	v5 =	vadd.f32 v14, v6;
	(pc) =	sbr.rel @p0 .LBB2_20-.Ltmp10, $4  }
0x25a: {  	[tilespmem:s16+$0x0] =	vst v8;
	v4 =	vadd.f32 v12, v4  }
0x25b: {  	[tilespmem:s15+$0xFFFFFFE0] =	vst v5;
	v5 =	vadd.f32 v62, v63  }
0x25c: {  	[tilespmem:s15+$0xFFFFFFF0] =	vst v4  }
0x25d: {  	[tilespmem:s15+$0x0] =	vst v5  }
0x25e: {  	s4 =	simm.s32 $0xD080  }
0x25f: {  	s10 =	simm.s32 $0xC080;
	v4 =	vld [tilespmem:s4+$0x0]  }
0x260: {  	v5 =	vld [tilespmem:s10+$0x0]  }
0x261: {  	s0 =	sadd.s32 $0x0, s8  }
0x262: {  	s15 =	simm.s32 $0x0;
	s0 =	scvt.s32.f32 s0  }
0x263: {  	s16 =	sand.u32 $0x1F0, s15  }
0x264: {  	s16 =	sor.u32 $0x1, s16;
	v4 =	vadd.f32 s0, v4  }
0x265: {  	s26 =	scvt.s32.f32 s16;
	v5 =	vadd.f32 v2, v5  }
0x266: {  	v4 =	vmax.f32 v4, $0.0e+00  }
0x267: {  	v5 =	vadd.f32 s26, v5;
	v4 =	vmin.f32 v4, $5.130000000e+02  }
0x268: {  	v4 =	vtrunc.f32 v4  }
0x269: {  	v5 =	vmax.f32 v5, $0.0e+00;
	v4 =	vcvt.f32.s32 v4  }
0x26a: {  	v5 =	vmin.f32 v5, $5.130000000e+02  }
0x26b: {  	v5 =	vtrunc.f32 v5;
	v4 =	vmul.u32 $0x280, v4  }
0x26c: {  	v5 =	vcvt.f32.s32 v5  }
0x26d: {  	v4 =	vadd.s32 v0, v4  }
0x26e: {  	s28 =	simm.s32 $0x10080;
	v4 =	vadd.s32 v5, v4  }
0x26f: {  	s30 =	simm.s32 $0x11080;
	s17 =	simm.s32 $0x12080;
	[tilespmem:s28+$0x0] =	vst v4;
	v5 =	vadd.s32 $0x1, v4  }
0x270: {  	s25 =	simm.s32 $0x13080;
	s20 =	simm.s32 $0x10090;
	s21 =	simm.s32 $0x11090;
	[tilespmem:s30+$0x0] =	vst v5;
	v5 =	vadd.s32 $0x280, v4  }
0x271: {  	s24 =	simm.s32 $0x12090;
	s16 =	simm.s32 $0x13090;
	s0 =	simm.s32 $0x1;
	v4 =	vadd.s32 $0x281, v4;
	[tilespmem:s17+$0x0] =	vst v5  }
.LBB2_16:
0x272: {  	[tilespmem:s25+$0x0] =	vst v4;
	s15 =	sadd.s32 $0x10, s15;
	s10 =	sadd.s32 $0x10, s10;
	s4 =	sadd.s32 $0x10, s4  }
0x273: {  	p0 =	sne.s32 s0, $0xFF;
	s17 =	smov.u32 s0;
	s0 =	sadd.s32 $0x1, s0;
	v4 =	vld [tilespmem:s4+$0x0]  }
0x274: {  	s25 =	smov.u32 s16;
	s17 =	sshrl.u32 s17, $0x5;
	v5 =	vld [tilespmem:s10+$0x0]  }
0x275: {  	s17 =	sadd.s32 s17, s8  }
0x276: {  	s17 =	scvt.s32.f32 s17  }
0x277: {  	s18 =	sand.u32 $0x1F0, s15  }
0x278: {  	s18 =	sor.u32 $0x1, s18;
	v4 =	vadd.f32 s17, v4  }
0x279: {  	s17 =	scvt.s32.f32 s18;
	v5 =	vadd.f32 v2, v5  }
0x27a: {  	v4 =	vmax.f32 v4, $0.0e+00  }
0x27b: {  	v5 =	vadd.f32 s17, v5;
	v4 =	vmin.f32 v4, $5.130000000e+02  }
0x27c: {  	v4 =	vtrunc.f32 v4  }
0x27d: {  	v5 =	vmax.f32 v5, $0.0e+00;
	v4 =	vcvt.f32.s32 v4  }
0x27e: {  	v5 =	vmin.f32 v5, $5.130000000e+02  }
0x27f: {  	v5 =	vtrunc.f32 v5;
	v4 =	vmul.u32 $0x280, v4  }
0x280: {  	v5 =	vcvt.f32.s32 v5  }
.Ltmp11:
0x281: {  	v4 =	vadd.s32 v0, v4;
	(pc) =	sbr.rel @p0 .LBB2_16-.Ltmp11, $4  }
0x282: {  	v4 =	vadd.s32 v5, v4  }
0x283: {  	[tilespmem:s20+$0x0] =	vst v4;
	v5 =	vadd.s32 $0x1, v4  }
0x284: {  	s16 =	sadd.s32 $0x10, s16;
	[tilespmem:s21+$0x0] =	vst v5;
	v5 =	vadd.s32 $0x280, v4  }
0x285: {  	s20 =	sadd.s32 $0x10, s20;
	v4 =	vadd.s32 $0x281, v4;
	s21 =	sadd.s32 $0x10, s21;
	[tilespmem:s24+$0x0] =	vst v5;
	s24 =	sadd.s32 $0x10, s24  }
0x286: {  	[tilespmem:s25+$0x0] =	vst v4;
	s16 =	simm.s32 $0x14080;
	s0 =	simm.s32 $0x10080  }
0x287: {  	[tilespmem:s16], [sflag:$0x6] =	stream.indirect.gather [hbm4b:s1+s23], $0x1, s0, s23, $0xb8;
	[tilespmem:$0x18080] =	vst v63  }
0x288: {  	s10 =	simm.s32 $0x15080;
	s21 =	simm.s32 $0x11080  }
0x289: {  	[tilespmem:s10], [sflag:$0x6] =	stream.indirect.gather [hbm4b:s1+s23], $0x1, s21, s23, $0xb8;
	[tilespmem:$0x18080] =	vst v63  }
0x28a: {  	s4 =	simm.s32 $0x16080;
	s24 =	simm.s32 $0x12080  }
0x28b: {  	[tilespmem:s4], [sflag:$0x6] =	stream.indirect.gather [hbm4b:s1+s23], $0x1, s24, s23, $0xb8;
	[tilespmem:$0x18080] =	vst v63  }
0x28c: {  	s15 =	simm.s32 $0x17080;
	s25 =	simm.s32 $0x13080  }
0x28d: {  	[tilespmem:s15], [sflag:$0x6] =	stream.indirect.gather [hbm4b:s1+s23], $0x1, s25, s23, $0xb8;
	[tilespmem:$0x18080] =	vst v63  }
0x28e: {  	_ =	swait.ge [sflag:s29], $0x1000  }
0x28f: {  	[sflag:s29] =	ssyncset.done $0x0  }
0x290: {  	[sflag:s29] =	ssyncadd.s32 $0xFFFFF000  }
0x291: {  	_ =	swait.ge [sflag:s29], $0x1000  }
0x292: {  	[sflag:s29] =	ssyncset.done $0x0  }
0x293: {  	[sflag:s29] =	ssyncadd.s32 $0xFFFFF000  }
0x294: {  	_ =	swait.ge [sflag:s29], $0x1000  }
0x295: {  	[sflag:s29] =	ssyncset.done $0x0  }
0x296: {  	[sflag:s29] =	ssyncadd.s32 $0xFFFFF000  }
0x297: {  	_ =	swait.ge [sflag:s29], $0x1000  }
0x298: {  	[sflag:s29] =	ssyncset.done $0x0  }
0x299: {  	s26 =	simm.s32 $0xC080;
	[sflag:s29] =	ssyncadd.s32 $0xFFFFF000  }
0x29a: {  	v4 =	vld [tilespmem:s26+$0x0];
	_ =	sdelay $0x1  }
0x29b: {  	s24 =	simm.s32 $0x0  }
0x29c: {  	s28 =	sand.u32 $0x1F0, s24  }
0x29d: {  	s21 =	simm.s32 $0xD080;
	s0 =	sor.u32 $0x1, s28  }
0x29e: {  	s0 =	scvt.s32.f32 s0;
	v5 =	vld [tilespmem:s21+$0x0];
	v4 =	vadd.f32 v2, v4;
	_ =	sdelay $0x1  }
0x29f: {  	s17 =	sadd.s32 $0x0, s8;
	v4 =	vadd.f32 s0, v4  }
0x2a0: {  	s30 =	scvt.s32.f32 s17  }
0x2a1: {  	v4 =	vmax.f32 v4, $0.0e+00  }
0x2a2: {  	v5 =	vadd.f32 s30, v5;
	v4 =	vmin.f32 v4, $5.130000000e+02  }
0x2a3: {  	v6 =	vtrunc.f32 v4  }
0x2a4: {  	v7 =	vld [tilespmem:s16+$0x0];
	v5 =	vmax.f32 v5, $0.0e+00;
	v6 =	vcvt.f32.s32 v6  }
0x2a5: {  	v8 =	vld [tilespmem:s10+$0x0];
	v5 =	vmin.f32 v5, $5.130000000e+02  }
0x2a6: {  	v10 =	vld [tilespmem:s15+$0x0];
	v9 =	vtrunc.f32 v5;
	v6 =	vcvt.s32.f32 v6  }
0x2a7: {  	v11 =	vld [tilespmem:s4+$0x0];
	v9 =	vcvt.f32.s32 v9  }
0x2a8: {  	v4 =	vsub.f32 v4, v6  }
0x2a9: {  	v6 =	vcvt.s32.f32 v9  }
0x2aa: {  	v61 =	vsub.f32 $1.000000000e+00, v4  }
0x2ab: {  	v5 =	vsub.f32 v5, v6;
	v6 =	vmul.f32 v4, v8;
	v4 =	vmul.f32 v4, v10  }
0x2ac: {  	v7 =	vmul.f32 v61, v7;
	v62 =	vmul.f32 v61, v11  }
0x2ad: {  	v63 =	vsub.f32 $1.000000000e+00, v5  }
0x2ae: {  	v6 =	vadd.f32 v7, v6;
	v4 =	vadd.f32 v62, v4;
	_ =	sdelay $0x1  }
0x2af: {  	v6 =	vmul.f32 v6, v63;
	v4 =	vmul.f32 v4, v5;
	_ =	sdelay $0x1  }
0x2b0: {  	v4 =	vadd.f32 v4, v6  }
0x2b1: {  	s20 =	simm.s32 $0xF080  }
0x2b2: {  	s26 =	simm.s32 $0xC090;
	[tilespmem:s20+$0x0] =	vst v4  }
0x2b3: {  	s25 =	simm.s32 $0x1;
	s0 =	simm.s32 $0x2;
	v4 =	vld [tilespmem:s26+$0x0]  }
.LBB2_18:
0x2b4: {  	p0 =	sne.s32 s0, $0xFF  }
0x2b5: {  	s24 =	sadd.s32 $0x10, s24  }
0x2b6: {  	s17 =	sand.u32 $0x1F0, s24  }
0x2b7: {  	s21 =	sadd.s32 $0x10, s21;
	s17 =	sor.u32 $0x1, s17  }
0x2b8: {  	s17 =	scvt.s32.f32 s17;
	v5 =	vld [tilespmem:s21+$0x0];
	v4 =	vadd.f32 v2, v4  }
0x2b9: {  	s18 =	sshrl.u32 s25, $0x5;
	s25 =	smov.u32 s0  }
0x2ba: {  	s18 =	sadd.s32 s18, s8;
	v4 =	vadd.f32 s17, v4  }
0x2bb: {  	s17 =	scvt.s32.f32 s18  }
0x2bc: {  	v4 =	vmax.f32 v4, $0.0e+00  }
0x2bd: {  	v5 =	vadd.f32 s17, v5;
	v4 =	vmin.f32 v4, $5.130000000e+02  }
0x2be: {  	s16 =	sadd.s32 $0x10, s16;
	v6 =	vtrunc.f32 v4  }
0x2bf: {  	s10 =	sadd.s32 $0x10, s10;
	v5 =	vmax.f32 v5, $0.0e+00;
	v6 =	vcvt.f32.s32 v6;
	v7 =	vld [tilespmem:s16+$0x0]  }
0x2c0: {  	s15 =	sadd.s32 $0x10, s15;
	v5 =	vmin.f32 v5, $5.130000000e+02;
	v8 =	vld [tilespmem:s10+$0x0]  }
0x2c1: {  	s4 =	sadd.s32 $0x10, s4;
	v9 =	vtrunc.f32 v5;
	v6 =	vcvt.s32.f32 v6;
	v10 =	vld [tilespmem:s15+$0x0]  }
0x2c2: {  	v9 =	vcvt.f32.s32 v9;
	v11 =	vld [tilespmem:s4+$0x0]  }
0x2c3: {  	v4 =	vsub.f32 v4, v6  }
0x2c4: {  	v6 =	vcvt.s32.f32 v9  }
0x2c5: {  	v9 =	vsub.f32 $1.000000000e+00, v4  }
0x2c6: {  	v5 =	vsub.f32 v5, v6;
	v6 =	vmul.f32 v4, v8;
	v4 =	vmul.f32 v4, v10  }
0x2c7: {  	v7 =	vmul.f32 v9, v7;
	v8 =	vmul.f32 v9, v11  }
0x2c8: {  	v9 =	vsub.f32 $1.000000000e+00, v5  }
0x2c9: {  	v6 =	vadd.f32 v7, v6;
	v4 =	vadd.f32 v8, v4;
	_ =	sdelay $0x1  }
0x2ca: {  	v6 =	vmul.f32 v6, v9;
	v4 =	vmul.f32 v4, v5  }
.Ltmp12:
0x2cb: {  	(pc) =	sbr.rel @p0 .LBB2_18-.Ltmp12, $4  }
0x2cc: {  	v4 =	vadd.f32 v4, v6  }
0x2cd: {  	s20 =	sadd.s32 $0x10, s20  }
0x2ce: {  	s26 =	sadd.s32 $0x10, s26;
	[tilespmem:s20+$0x0] =	vst v4  }
0x2cf: {  	s0 =	sadd.s32 $0x1, s0;
	v4 =	vld [tilespmem:s26+$0x0]  }
0x2d0: {  	_ = 	snop  }
0x2d1: {  	s0 =	sadd.s32 $0x10, s24  }
0x2d2: {  	s0 =	sand.u32 $0x1F0, s0  }
0x2d3: {  	s17 =	sadd.s32 $0x10, s21;
	s0 =	sor.u32 $0x1, s0  }
0x2d4: {  	v5 =	vld [tilespmem:s17+$0x0];
	s0 =	scvt.s32.f32 s0;
	v4 =	vadd.f32 v2, v4  }
0x2d5: {  	s18 =	sshrl.u32 s25, $0x5  }
0x2d6: {  	s8 =	sadd.s32 s18, s8;
	v4 =	vadd.f32 s0, v4  }
0x2d7: {  	s21 =	scvt.s32.f32 s8  }
0x2d8: {  	v4 =	vmax.f32 v4, $0.0e+00  }
0x2d9: {  	v5 =	vadd.f32 s21, v5;
	v4 =	vmin.f32 v4, $5.130000000e+02  }
0x2da: {  	s24 =	sadd.s32 $0x10, s16;
	v6 =	vtrunc.f32 v4  }
0x2db: {  	s25 =	sadd.s32 $0x10, s10;
	v7 =	vld [tilespmem:s24+$0x0];
	v5 =	vmax.f32 v5, $0.0e+00;
	v6 =	vcvt.f32.s32 v6  }
0x2dc: {  	s26 =	sadd.s32 $0x10, s15;
	v8 =	vld [tilespmem:s25+$0x0];
	v5 =	vmin.f32 v5, $5.130000000e+02  }
0x2dd: {  	s28 =	sadd.s32 $0x10, s4;
	v10 =	vld [tilespmem:s26+$0x0];
	v9 =	vtrunc.f32 v5;
	v6 =	vcvt.s32.f32 v6  }
0x2de: {  	v11 =	vld [tilespmem:s28+$0x0];
	v9 =	vcvt.f32.s32 v9  }
0x2df: {  	v4 =	vsub.f32 v4, v6  }
0x2e0: {  	v59 =	vcvt.s32.f32 v9  }
0x2e1: {  	v60 =	vsub.f32 $1.000000000e+00, v4  }
0x2e2: {  	v5 =	vsub.f32 v5, v59;
	v61 =	vmul.f32 v4, v8;
	v4 =	vmul.f32 v4, v10  }
0x2e3: {  	v7 =	vmul.f32 v60, v7;
	v62 =	vmul.f32 v60, v11  }
0x2e4: {  	v63 =	vsub.f32 $1.000000000e+00, v5  }
0x2e5: {  	v6 =	vadd.f32 v7, v61;
	v4 =	vadd.f32 v62, v4;
	_ =	sdelay $0x1  }
.Ltmp13:
0x2e6: {  	v6 =	vmul.f32 v6, v63;
	v4 =	vmul.f32 v4, v5;
	(pc) =	sbr.rel .LBB2_20-.Ltmp13, $4  }
0x2e7: {  	_ = 	snop  }
0x2e8: {  	v4 =	vadd.f32 v4, v6  }
0x2e9: {  	s30 =	sadd.s32 $0x10, s20  }
0x2ea: {  	[tilespmem:s30+$0x0] =	vst v4  }
.LBB2_22:
0x2eb: {  	_ =	sfence.sel $0x180000  }
0x2ec: {  	[bflag:$0x0] =	sbarrier.arrive $0xFFFF  }
0x2ed: {  	_ =	strace $0x90000047  }
0x2ee: {  	s0 =	stileid.u32;
	[bflag:$0x2] =	sbarrier.arrive $0xFFFF  }
0x2ef: {  	p0 =	sne.s32 s0, $0x0;
	s0 =	rddreg [dreg:$0x4]  }
0x2f0: {  	s0 =	sadd.s32 @!p0 $0x100000, s0  }
0x2f1: {  	[sflag:s0] =	ssyncadd.tile.s32 @!p0 $0x1;
	_ =	shalt  }
.Lfunc_end2:
_tile_overlayer_lowered:
.L_overlay_start_2:
0x2f2: {  	(tag) =	ssettag $0x2  }
0x2f3: {  	s0 =	rddreg [dreg:$0x0];
	s2 =	stileid.u32  }
0x2f4: {  	s1 =	rddreg [dreg:$0x1];
	p0 =	sne.s32 s2, $0x0  }
0x2f5: {  	s3 =	rddreg [dreg:$0x2];
	[bflag:$0x3] =	sbarrier.arrive $0xFFFF;
	s2 =	simm.s32 @!p0 $0x1C07  }
0x2f6: {  	[timem:s3], [sflag:s2] =	dma.local @!p0 [hbm:s0], s1  }
0x2f7: {  	s0 =	simm.s32 @!p0 $0x7  }
0x2f8: {  	_ =	swait.ge @!p0 [sflag:s0], s1  }
0x2f9: {  	s1 =	ssub.s32 @!p0 $0x0, s1;
	[sflag:s0] =	ssyncset.done @!p0 $0x0  }
0x2fa: {  	[sflag:s0] =	ssyncadd.s32 @!p0 s1  }
0x2fb: {  	[bflag:$0x3] =	sbarrier.arrive $0xFFFF  }
0x2fc: {  	_ =	shalt  }

</sc_bundles>
